<compile_context>
chip_gen: v7x
topology: tpu7x:2x2x1
jax: 0.10.2.dev20260603
libtpu: 0.0.44.dev20260713+nightly
codegen_flags: <defaults>
</compile_context>

<pallas_src>
import functools

import jax
import jax.numpy as jnp
from jax import lax
from jax.experimental import pallas as pl
from jax.experimental.pallas import tpu as pltpu
from jax.experimental.pallas import tpu_sc as plsc

B = 16384
D = 32
SPAN = 128
W = 4
NBUF = 4
STG = 128

_NC, _NS = 2, 16
_NW = _NC * _NS
_BPW = B // _NW
_NWAVE = _BPW // W


def _gather_body(uidx_hbm, midx_hbm, utab_hbm, mtab_hbm, ue_hbm, me_hbm,
                 idx_v, span, gbuf, sem):
    wid = lax.axis_index("s") * _NC + lax.axis_index("c")
    base = wid * _BPW
    lane = lax.iota(jnp.int32, 16)

    for idx_hbm, tab_hbm, out_hbm in (
        (uidx_hbm, utab_hbm, ue_hbm),
        (midx_hbm, mtab_hbm, me_hbm),
    ):
        pltpu.sync_copy(idx_hbm.at[wid], idx_v.at[pl.ds(0, _BPW)])

        def fire(vec, b):
            for k in range(W):
                al = pl.multiple_of(
                    lax.shift_right_logical(vec[k], 7) * SPAN, SPAN)
                pltpu.async_copy(tab_hbm.at[:, pl.ds(al, SPAN)],
                                 span.at[b, k], sem)

        def body(w, _):
            b = lax.rem(w, NBUF)
            vec = idx_v[pl.ds(w * W, 16)]

            @pl.when(w + NBUF - 1 < _NWAVE)
            def _():
                fire(idx_v[pl.ds((w + NBUF - 1) * W, 16)],
                     lax.rem(w + NBUF - 1, NBUF))

            for k in range(W):
                pltpu.make_async_copy(tab_hbm.at[:, pl.ds(0, SPAN)],
                                      span.at[b, k], sem).wait()
            for k in range(W):
                r = lax.rem(w * W + k, STG)
                lo = lax.broadcast_in_dim(
                    lax.bitwise_and(vec[k], SPAN - 1), (16,), ())
                gbuf[r, pl.ds(0, 16)] = plsc.load_gather(
                    span.at[b, k], [lane, lo])
                gbuf[r, pl.ds(16, 16)] = plsc.load_gather(
                    span.at[b, k], [lane + 16, lo])

            @pl.when(lax.rem(w, STG // W) == STG // W - 1)
            def _():
                blk = lax.div(w, STG // W)
                pltpu.sync_copy(
                    gbuf, out_hbm.at[pl.ds(base + blk * STG, STG)])
            return 0

        for p in range(NBUF - 1):
            fire(idx_v[pl.ds(p * W, 16)], p)
        lax.fori_loop(0, _NWAVE, body, 0)


@functools.cache
def _gather():
    return pl.kernel(
        _gather_body,
        mesh=plsc.VectorSubcoreMesh(core_axis_name="c", subcore_axis_name="s"),
        out_type=(
            jax.ShapeDtypeStruct((B, D), jnp.float32),
            jax.ShapeDtypeStruct((B, D), jnp.float32),
        ),
        scratch_types=[
            pltpu.VMEM((_BPW + 32, ), jnp.int32),
            pltpu.VMEM((NBUF, W, D, SPAN), jnp.float32),
            pltpu.VMEM((STG, D), jnp.float32),
            pltpu.SemaphoreType.DMA,
        ],
        compiler_params=pltpu.CompilerParams(needs_layout_passes=False),
    )


def _mlp_body(ue, me, w1u, w1m, b1, w2, b2, w3, b3, out):
    h = jnp.dot(ue[...], w1u[...], preferred_element_type=jnp.float32)
    h = h + jnp.dot(me[...], w1m[...], preferred_element_type=jnp.float32)
    h = jnp.maximum(h + b1[...], 0.0)
    h = jnp.maximum(jnp.dot(h, w2[...], preferred_element_type=jnp.float32) + b2[...], 0.0)
    out[...] = jnp.dot(h, w3[...], preferred_element_type=jnp.float32) + b3[...]


def _mlp(ue, me, w1u, w1m, b1, w2, b2, w3, b3):
    blk = 2048
    rep = lambda i: (0, 0)
    return pl.pallas_call(
        _mlp_body,
        grid=(B // blk,),
        in_specs=[
            pl.BlockSpec((blk, D), lambda i: (i, 0)),
            pl.BlockSpec((blk, D), lambda i: (i, 0)),
            pl.BlockSpec((D, 256), rep),
            pl.BlockSpec((D, 256), rep),
            pl.BlockSpec((1, 256), rep),
            pl.BlockSpec((256, 64), rep),
            pl.BlockSpec((1, 64), rep),
            pl.BlockSpec((64, 1), rep),
            pl.BlockSpec((1, 1), rep),
        ],
        out_specs=pl.BlockSpec((blk, 1), lambda i: (i, 0)),
        out_shape=jax.ShapeDtypeStruct((B, 1), jnp.float32),
    )(ue, me, w1u, w1m, b1, w2, b2, w3, b3)


def kernel(user_id, movie_title, user_table, movie_table, W1, b1, W2, b2, W3, b3):
    uidx = user_id.astype(jnp.int32).reshape(_NW, _BPW)
    midx = movie_title.astype(jnp.int32).reshape(_NW, _BPW)
    ue, me = _gather()(uidx, midx, user_table.T, movie_table.T)
    return _mlp(ue, me, W1[:D], W1[D:], b1.reshape(1, -1),
                W2, b2.reshape(1, -1), W3, b3.reshape(1, 1))

# --- scband reference (transcript-rebuilt; emitter-appended) ---
"""Pipeline reference for scband-ranking-model-28449863368862 (READ-ONLY COPY).

The authoritative reference and input builder live on the scoring server;
editing this copy changes nothing except your own understanding.
"""

import jax, jax.numpy as jnp
import numpy as np

B = 16384
VOCAB_USERS = 1000000
VOCAB_MOVIES = 1000000
EMBED_DIM = 32


def setup_inputs(seed: int = 0) -> dict:
    key = jax.random.key(seed)
    ks = jax.random.split(key, 10)
    user_id = jax.random.randint(ks[0], (B,), 0, VOCAB_USERS, dtype=jnp.int64 if jax.config.jax_enable_x64 else jnp.int32)
    movie_title = jax.random.randint(ks[1], (B,), 0, VOCAB_MOVIES, dtype=jnp.int64 if jax.config.jax_enable_x64 else jnp.int32)
    # Embedding tables: StringLookup reserves one OOV slot -> vocab + 1 rows
    user_table = jax.random.normal(ks[2], (VOCAB_USERS + 1, EMBED_DIM), dtype=jnp.float32) * 0.05
    movie_table = jax.random.normal(ks[3], (VOCAB_MOVIES + 1, EMBED_DIM), dtype=jnp.float32) * 0.05
    # Ratings MLP: Dense(256, relu) -> Dense(64, relu) -> Dense(1)
    W1 = jax.random.normal(ks[4], (2 * EMBED_DIM, 256), dtype=jnp.float32) * 0.05
    b1 = jnp.zeros((256,), dtype=jnp.float32)
    W2 = jax.random.normal(ks[5], (256, 64), dtype=jnp.float32) * 0.05
    b2 = jnp.zeros((64,), dtype=jnp.float32)
    W3 = jax.random.normal(ks[6], (64, 1), dtype=jnp.float32) * 0.05
    b3 = jnp.zeros((1,), dtype=jnp.float32)
    return {
        "user_id": user_id,
        "movie_title": movie_title,
        "user_table": user_table,
        "movie_table": movie_table,
        "W1": W1, "b1": b1,
        "W2": W2, "b2": b2,
        "W3": W3, "b3": b3,
    }


def reference(user_id, movie_title, user_table, movie_table, W1, b1, W2, b2, W3, b3):
    # Embedding lookups (StringLookup -> integer ids assumed precomputed)
    user_embedding = jnp.take(user_table, user_id, axis=0)
    movie_embedding = jnp.take(movie_table, movie_title, axis=0)
    x = jnp.concatenate([user_embedding, movie_embedding], axis=1)
    h = jax.nn.relu(x @ W1 + b1)
    h = jax.nn.relu(h @ W2 + b2)
    out = h @ W3 + b3
    return out

if __name__ == "__main__":
    import jax
    _d = setup_inputs()
    print(jax.jit(kernel)(*tuple(_d.values())))

</pallas_src>

<mosaic_0001>
#map = affine_map<(d0, d1) -> (0, 0)>
module attributes {stable_mosaic.version = 14 : i64} {
  func.func @_gather_body(%arg0: i32, %arg1: i32, %arg2: memref<32x512xi32, #tpu.memory_space<hbm>>, %arg3: memref<32x512xi32, #tpu.memory_space<hbm>>, %arg4: memref<32x1000001xf32, #tpu.memory_space<hbm>>, %arg5: memref<32x1000001xf32, #tpu.memory_space<hbm>>, %arg6: memref<16384x32xf32, #tpu.memory_space<hbm>>, %arg7: memref<16384x32xf32, #tpu.memory_space<hbm>>, %arg8: memref<544xi32, #tpu.memory_space<vmem>>, %arg9: memref<4x4x32x128xf32, #tpu.memory_space<vmem>>, %arg10: memref<128x32xf32, #tpu.memory_space<vmem>>, %arg11: memref<!tpu.dma_semaphore, #tpu.memory_space<semaphore_mem>>) attributes {dimension_semantics = [#tpu.dimension_semantics<core_parallel>, #tpu.dimension_semantics<subcore_parallel>], iteration_bounds = array<i64: 2, 16>, scalar_prefetch = 0 : i64, scratch_operands = 4 : i64, tpu.core_type = #tpu.core_type<sc_vector_subcore>, window_params = [{transform_indices = #map}, {transform_indices = #map}, {transform_indices = #map}, {transform_indices = #map}, {transform_indices = #map}, {transform_indices = #map}]} {
    %mul3A = arith.constant 2 : i32
    %mul3A_0 = arith.muli %arg1, %mul3A : i32
    %add3A = arith.addi %mul3A_0, %arg0 : i32
    %mul3A_1 = arith.constant 512 : i32
    %mul3A_2 = arith.muli %add3A, %mul3A_1 : i32
    %iota3A = tpu.iota {dimensions = array<i32: 0>} : vector<16xi32>
    "tpu.region"() ({
      %run_scoped3A = tpu.sem_alloc : memref<!tpu.dma_semaphore, #tpu.memory_space<semaphore_mem>>
      %dma_start3A_526 = arith.constant 0 : i32
      %dma_start3A_527 = tpu.memref_slice %arg8[%dma_start3A_526] : memref<544xi32, #tpu.memory_space<vmem>> -> memref<512xi32, #tpu.memory_space<vmem>>
      %dma_start3A_528 = arith.constant 0 : i32
      %dma_start3A_529 = tpu.memref_slice %arg2[%add3A, %dma_start3A_528] : memref<32x512xi32, #tpu.memory_space<hbm>> -> memref<1x512xi32, #tpu.memory_space<hbm>>
      %dma_start3A_530 = tpu.memref_squeeze %dma_start3A_529 : memref<1x512xi32, #tpu.memory_space<hbm>> -> memref<512xi32, #tpu.memory_space<hbm>>
      %dma_start3A_531 = arith.constant 0 : i32
      %dma_start3A_532 = tpu.memref_slice %arg8[%dma_start3A_531] : memref<544xi32, #tpu.memory_space<vmem>> -> memref<512xi32, #tpu.memory_space<vmem>>
      %dma_start3A_533 = arith.constant 0 : i32
      %dma_start3A_534 = tpu.memref_slice %arg2[%add3A, %dma_start3A_533] : memref<32x512xi32, #tpu.memory_space<hbm>> -> memref<1x512xi32, #tpu.memory_space<hbm>>
      %dma_start3A_535 = tpu.memref_squeeze %dma_start3A_534 : memref<1x512xi32, #tpu.memory_space<hbm>> -> memref<512xi32, #tpu.memory_space<hbm>>
      tpu.enqueue_dma source(%dma_start3A_535 : memref<512xi32, #tpu.memory_space<hbm>>) target(%dma_start3A_532 : memref<512xi32, #tpu.memory_space<vmem>>) target_semaphore(%run_scoped3A : memref<!tpu.dma_semaphore, #tpu.memory_space<semaphore_mem>>)
      %dma_wait3A = arith.constant 0 : i32
      %dma_wait3A_536 = tpu.memref_slice %arg8[%dma_wait3A] : memref<544xi32, #tpu.memory_space<vmem>> -> memref<512xi32, #tpu.memory_space<vmem>>
      %dma_wait3A_537 = arith.constant 0 : i32
      %dma_wait3A_538 = tpu.memref_slice %arg2[%add3A, %dma_wait3A_537] : memref<32x512xi32, #tpu.memory_space<hbm>> -> memref<1x512xi32, #tpu.memory_space<hbm>>
      %dma_wait3A_539 = tpu.memref_squeeze %dma_wait3A_538 : memref<1x512xi32, #tpu.memory_space<hbm>> -> memref<512xi32, #tpu.memory_space<hbm>>
      %dma_wait3A_540 = arith.constant 0 : i32
      %dma_wait3A_541 = tpu.memref_slice %arg8[%dma_wait3A_540] : memref<544xi32, #tpu.memory_space<vmem>> -> memref<512xi32, #tpu.memory_space<vmem>>
      %dma_wait3A_542 = arith.constant 0 : i32
      %dma_wait3A_543 = tpu.memref_slice %arg2[%add3A, %dma_wait3A_542] : memref<32x512xi32, #tpu.memory_space<hbm>> -> memref<1x512xi32, #tpu.memory_space<hbm>>
      %dma_wait3A_544 = tpu.memref_squeeze %dma_wait3A_543 : memref<1x512xi32, #tpu.memory_space<hbm>> -> memref<512xi32, #tpu.memory_space<hbm>>
      tpu.wait_dma2 semaphore(%run_scoped3A : memref<!tpu.dma_semaphore, #tpu.memory_space<semaphore_mem>>) src(%dma_wait3A_544 : memref<512xi32, #tpu.memory_space<hbm>>) dst(%dma_wait3A_541 : memref<512xi32, #tpu.memory_space<vmem>>)
      tpu.yield
    }) : () -> ()
    %get3A = arith.constant 0 : index
    %get3A_3 = tpu.vector_load %arg8[%get3A] {strides = array<i32>} : memref<544xi32, #tpu.memory_space<vmem>>, vector<16xi32>,
    %slice3A = vector.extract_strided_slice %get3A_3 {offsets = [0], sizes = [1], strides = [1]} : vector<16xi32> to vector<1xi32>
    %squeeze3A = vector.extract %slice3A[0] : i32 from vector<1xi32>
    %shift_right_logical3A = arith.constant 7 : i32
    %shift_right_logical3A_4 = arith.shrui %squeeze3A, %shift_right_logical3A : i32
    %mul3A_5 = arith.constant 128 : i32
    %mul3A_6 = arith.muli %shift_right_logical3A_4, %mul3A_5 : i32
    %multiple_of3A = tpu.assume_multiple %mul3A_6, 128 : i32
    %dma_start3A = arith.constant 0 : i32
    %dma_start3A_7 = arith.constant 0 : i32
    %dma_start3A_8 = arith.constant 0 : i32
    %dma_start3A_9 = arith.constant 0 : i32
    %dma_start3A_10 = tpu.memref_slice %arg9[%dma_start3A, %dma_start3A_7, %dma_start3A_8, %dma_start3A_9] : memref<4x4x32x128xf32, #tpu.memory_space<vmem>> -> memref<1x1x32x128xf32, #tpu.memory_space<vmem>>
    %dma_start3A_11 = tpu.memref_squeeze %dma_start3A_10 : memref<1x1x32x128xf32, #tpu.memory_space<vmem>> -> memref<32x128xf32, #tpu.memory_space<vmem>>
    %dma_start3A_12 = arith.constant 0 : i32
    %dma_start3A_13 = tpu.memref_slice %arg4[%dma_start3A_12, %multiple_of3A] : memref<32x1000001xf32, #tpu.memory_space<hbm>> -> memref<32x128xf32, #tpu.memory_space<hbm>>
    %dma_start3A_14 = arith.constant 0 : i32
    %dma_start3A_15 = arith.constant 0 : i32
    %dma_start3A_16 = tpu.memref_slice %arg9[%dma_start3A, %dma_start3A_7, %dma_start3A_14, %dma_start3A_15] : memref<4x4x32x128xf32, #tpu.memory_space<vmem>> -> memref<1x1x32x128xf32, #tpu.memory_space<vmem>>
    %dma_start3A_17 = tpu.memref_squeeze %dma_start3A_16 : memref<1x1x32x128xf32, #tpu.memory_space<vmem>> -> memref<32x128xf32, #tpu.memory_space<vmem>>
    %dma_start3A_18 = arith.constant 0 : i32
    %dma_start3A_19 = tpu.memref_slice %arg4[%dma_start3A_18, %multiple_of3A] : memref<32x1000001xf32, #tpu.memory_space<hbm>> -> memref<32x128xf32, #tpu.memory_space<hbm>>
    tpu.enqueue_dma source(%dma_start3A_19 : memref<32x128xf32, #tpu.memory_space<hbm>>) target(%dma_start3A_17 : memref<32x128xf32, #tpu.memory_space<vmem>>) target_semaphore(%arg11 : memref<!tpu.dma_semaphore, #tpu.memory_space<semaphore_mem>>)
    %slice3A_20 = vector.extract_strided_slice %get3A_3 {offsets = [1], sizes = [1], strides = [1]} : vector<16xi32> to vector<1xi32>
    %squeeze3A_21 = vector.extract %slice3A_20[0] : i32 from vector<1xi32>
    %shift_right_logical3A_22 = arith.constant 7 : i32
    %shift_right_logical3A_23 = arith.shrui %squeeze3A_21, %shift_right_logical3A_22 : i32
    %mul3A_24 = arith.constant 128 : i32
    %mul3A_25 = arith.muli %shift_right_logical3A_23, %mul3A_24 : i32
    %multiple_of3A_26 = tpu.assume_multiple %mul3A_25, 128 : i32
    %dma_start3A_27 = arith.constant 0 : i32
    %dma_start3A_28 = arith.constant 1 : i32
    %dma_start3A_29 = arith.constant 0 : i32
    %dma_start3A_30 = arith.constant 0 : i32
    %dma_start3A_31 = tpu.memref_slice %arg9[%dma_start3A_27, %dma_start3A_28, %dma_start3A_29, %dma_start3A_30] : memref<4x4x32x128xf32, #tpu.memory_space<vmem>> -> memref<1x1x32x128xf32, #tpu.memory_space<vmem>>
    %dma_start3A_32 = tpu.memref_squeeze %dma_start3A_31 : memref<1x1x32x128xf32, #tpu.memory_space<vmem>> -> memref<32x128xf32, #tpu.memory_space<vmem>>
    %dma_start3A_33 = arith.constant 0 : i32
    %dma_start3A_34 = tpu.memref_slice %arg4[%dma_start3A_33, %multiple_of3A_26] : memref<32x1000001xf32, #tpu.memory_space<hbm>> -> memref<32x128xf32, #tpu.memory_space<hbm>>
    %dma_start3A_35 = arith.constant 0 : i32
    %dma_start3A_36 = arith.constant 0 : i32
    %dma_start3A_37 = tpu.memref_slice %arg9[%dma_start3A_27, %dma_start3A_28, %dma_start3A_35, %dma_start3A_36] : memref<4x4x32x128xf32, #tpu.memory_space<vmem>> -> memref<1x1x32x128xf32, #tpu.memory_space<vmem>>
    %dma_start3A_38 = tpu.memref_squeeze %dma_start3A_37 : memref<1x1x32x128xf32, #tpu.memory_space<vmem>> -> memref<32x128xf32, #tpu.memory_space<vmem>>
    %dma_start3A_39 = arith.constant 0 : i32
    %dma_start3A_40 = tpu.memref_slice %arg4[%dma_start3A_39, %multiple_of3A_26] : memref<32x1000001xf32, #tpu.memory_space<hbm>> -> memref<32x128xf32, #tpu.memory_space<hbm>>
    tpu.enqueue_dma source(%dma_start3A_40 : memref<32x128xf32, #tpu.memory_space<hbm>>) target(%dma_start3A_38 : memref<32x128xf32, #tpu.memory_space<vmem>>) target_semaphore(%arg11 : memref<!tpu.dma_semaphore, #tpu.memory_space<semaphore_mem>>)
    %slice3A_41 = vector.extract_strided_slice %get3A_3 {offsets = [2], sizes = [1], strides = [1]} : vector<16xi32> to vector<1xi32>
    %squeeze3A_42 = vector.extract %slice3A_41[0] : i32 from vector<1xi32>
    %shift_right_logical3A_43 = arith.constant 7 : i32
    %shift_right_logical3A_44 = arith.shrui %squeeze3A_42, %shift_right_logical3A_43 : i32
    %mul3A_45 = arith.constant 128 : i32
    %mul3A_46 = arith.muli %shift_right_logical3A_44, %mul3A_45 : i32
    %multiple_of3A_47 = tpu.assume_multiple %mul3A_46, 128 : i32
    %dma_start3A_48 = arith.constant 0 : i32
    %dma_start3A_49 = arith.constant 2 : i32
    %dma_start3A_50 = arith.constant 0 : i32
    %dma_start3A_51 = arith.constant 0 : i32
    %dma_start3A_52 = tpu.memref_slice %arg9[%dma_start3A_48, %dma_start3A_49, %dma_start3A_50, %dma_start3A_51] : memref<4x4x32x128xf32, #tpu.memory_space<vmem>> -> memref<1x1x32x128xf32, #tpu.memory_space<vmem>>
    %dma_start3A_53 = tpu.memref_squeeze %dma_start3A_52 : memref<1x1x32x128xf32, #tpu.memory_space<vmem>> -> memref<32x128xf32, #tpu.memory_space<vmem>>
    %dma_start3A_54 = arith.constant 0 : i32
    %dma_start3A_55 = tpu.memref_slice %arg4[%dma_start3A_54, %multiple_of3A_47] : memref<32x1000001xf32, #tpu.memory_space<hbm>> -> memref<32x128xf32, #tpu.memory_space<hbm>>
    %dma_start3A_56 = arith.constant 0 : i32
    %dma_start3A_57 = arith.constant 0 : i32
    %dma_start3A_58 = tpu.memref_slice %arg9[%dma_start3A_48, %dma_start3A_49, %dma_start3A_56, %dma_start3A_57] : memref<4x4x32x128xf32, #tpu.memory_space<vmem>> -> memref<1x1x32x128xf32, #tpu.memory_space<vmem>>
    %dma_start3A_59 = tpu.memref_squeeze %dma_start3A_58 : memref<1x1x32x128xf32, #tpu.memory_space<vmem>> -> memref<32x128xf32, #tpu.memory_space<vmem>>
    %dma_start3A_60 = arith.constant 0 : i32
    %dma_start3A_61 = tpu.memref_slice %arg4[%dma_start3A_60, %multiple_of3A_47] : memref<32x1000001xf32, #tpu.memory_space<hbm>> -> memref<32x128xf32, #tpu.memory_space<hbm>>
    tpu.enqueue_dma source(%dma_start3A_61 : memref<32x128xf32, #tpu.memory_space<hbm>>) target(%dma_start3A_59 : memref<32x128xf32, #tpu.memory_space<vmem>>) target_semaphore(%arg11 : memref<!tpu.dma_semaphore, #tpu.memory_space<semaphore_mem>>)
    %slice3A_62 = vector.extract_strided_slice %get3A_3 {offsets = [3], sizes = [1], strides = [1]} : vector<16xi32> to vector<1xi32>
    %squeeze3A_63 = vector.extract %slice3A_62[0] : i32 from vector<1xi32>
    %shift_right_logical3A_64 = arith.constant 7 : i32
    %shift_right_logical3A_65 = arith.shrui %squeeze3A_63, %shift_right_logical3A_64 : i32
    %mul3A_66 = arith.constant 128 : i32
    %mul3A_67 = arith.muli %shift_right_logical3A_65, %mul3A_66 : i32
    %multiple_of3A_68 = tpu.assume_multiple %mul3A_67, 128 : i32
    %dma_start3A_69 = arith.constant 0 : i32
    %dma_start3A_70 = arith.constant 3 : i32
    %dma_start3A_71 = arith.constant 0 : i32
    %dma_start3A_72 = arith.constant 0 : i32
    %dma_start3A_73 = tpu.memref_slice %arg9[%dma_start3A_69, %dma_start3A_70, %dma_start3A_71, %dma_start3A_72] : memref<4x4x32x128xf32, #tpu.memory_space<vmem>> -> memref<1x1x32x128xf32, #tpu.memory_space<vmem>>
    %dma_start3A_74 = tpu.memref_squeeze %dma_start3A_73 : memref<1x1x32x128xf32, #tpu.memory_space<vmem>> -> memref<32x128xf32, #tpu.memory_space<vmem>>
    %dma_start3A_75 = arith.constant 0 : i32
    %dma_start3A_76 = tpu.memref_slice %arg4[%dma_start3A_75, %multiple_of3A_68] : memref<32x1000001xf32, #tpu.memory_space<hbm>> -> memref<32x128xf32, #tpu.memory_space<hbm>>
    %dma_start3A_77 = arith.constant 0 : i32
    %dma_start3A_78 = arith.constant 0 : i32
    %dma_start3A_79 = tpu.memref_slice %arg9[%dma_start3A_69, %dma_start3A_70, %dma_start3A_77, %dma_start3A_78] : memref<4x4x32x128xf32, #tpu.memory_space<vmem>> -> memref<1x1x32x128xf32, #tpu.memory_space<vmem>>
    %dma_start3A_80 = tpu.memref_squeeze %dma_start3A_79 : memref<1x1x32x128xf32, #tpu.memory_space<vmem>> -> memref<32x128xf32, #tpu.memory_space<vmem>>
    %dma_start3A_81 = arith.constant 0 : i32
    %dma_start3A_82 = tpu.memref_slice %arg4[%dma_start3A_81, %multiple_of3A_68] : memref<32x1000001xf32, #tpu.memory_space<hbm>> -> memref<32x128xf32, #tpu.memory_space<hbm>>
    tpu.enqueue_dma source(%dma_start3A_82 : memref<32x128xf32, #tpu.memory_space<hbm>>) target(%dma_start3A_80 : memref<32x128xf32, #tpu.memory_space<vmem>>) target_semaphore(%arg11 : memref<!tpu.dma_semaphore, #tpu.memory_space<semaphore_mem>>)
    %get3A_83 = arith.constant 4 : index
    %get3A_84 = tpu.vector_load %arg8[%get3A_83] {strides = array<i32>} : memref<544xi32, #tpu.memory_space<vmem>>, vector<16xi32>,
    %slice3A_85 = vector.extract_strided_slice %get3A_84 {offsets = [0], sizes = [1], strides = [1]} : vector<16xi32> to vector<1xi32>
    %squeeze3A_86 = vector.extract %slice3A_85[0] : i32 from vector<1xi32>
    %shift_right_logical3A_87 = arith.constant 7 : i32
    %shift_right_logical3A_88 = arith.shrui %squeeze3A_86, %shift_right_logical3A_87 : i32
    %mul3A_89 = arith.constant 128 : i32
    %mul3A_90 = arith.muli %shift_right_logical3A_88, %mul3A_89 : i32
    %multiple_of3A_91 = tpu.assume_multiple %mul3A_90, 128 : i32
    %dma_start3A_92 = arith.constant 1 : i32
    %dma_start3A_93 = arith.constant 0 : i32
    %dma_start3A_94 = arith.constant 0 : i32
    %dma_start3A_95 = arith.constant 0 : i32
    %dma_start3A_96 = tpu.memref_slice %arg9[%dma_start3A_92, %dma_start3A_93, %dma_start3A_94, %dma_start3A_95] : memref<4x4x32x128xf32, #tpu.memory_space<vmem>> -> memref<1x1x32x128xf32, #tpu.memory_space<vmem>>
    %dma_start3A_97 = tpu.memref_squeeze %dma_start3A_96 : memref<1x1x32x128xf32, #tpu.memory_space<vmem>> -> memref<32x128xf32, #tpu.memory_space<vmem>>
    %dma_start3A_98 = arith.constant 0 : i32
    %dma_start3A_99 = tpu.memref_slice %arg4[%dma_start3A_98, %multiple_of3A_91] : memref<32x1000001xf32, #tpu.memory_space<hbm>> -> memref<32x128xf32, #tpu.memory_space<hbm>>
    %dma_start3A_100 = arith.constant 0 : i32
    %dma_start3A_101 = arith.constant 0 : i32
    %dma_start3A_102 = tpu.memref_slice %arg9[%dma_start3A_92, %dma_start3A_93, %dma_start3A_100, %dma_start3A_101] : memref<4x4x32x128xf32, #tpu.memory_space<vmem>> -> memref<1x1x32x128xf32, #tpu.memory_space<vmem>>
    %dma_start3A_103 = tpu.memref_squeeze %dma_start3A_102 : memref<1x1x32x128xf32, #tpu.memory_space<vmem>> -> memref<32x128xf32, #tpu.memory_space<vmem>>
    %dma_start3A_104 = arith.constant 0 : i32
    %dma_start3A_105 = tpu.memref_slice %arg4[%dma_start3A_104, %multiple_of3A_91] : memref<32x1000001xf32, #tpu.memory_space<hbm>> -> memref<32x128xf32, #tpu.memory_space<hbm>>
    tpu.enqueue_dma source(%dma_start3A_105 : memref<32x128xf32, #tpu.memory_space<hbm>>) target(%dma_start3A_103 : memref<32x128xf32, #tpu.memory_space<vmem>>) target_semaphore(%arg11 : memref<!tpu.dma_semaphore, #tpu.memory_space<semaphore_mem>>)
    %slice3A_106 = vector.extract_strided_slice %get3A_84 {offsets = [1], sizes = [1], strides = [1]} : vector<16xi32> to vector<1xi32>
    %squeeze3A_107 = vector.extract %slice3A_106[0] : i32 from vector<1xi32>
    %shift_right_logical3A_108 = arith.constant 7 : i32
    %shift_right_logical3A_109 = arith.shrui %squeeze3A_107, %shift_right_logical3A_108 : i32
    %mul3A_110 = arith.constant 128 : i32
    %mul3A_111 = arith.muli %shift_right_logical3A_109, %mul3A_110 : i32
    %multiple_of3A_112 = tpu.assume_multiple %mul3A_111, 128 : i32
    %dma_start3A_113 = arith.constant 1 : i32
    %dma_start3A_114 = arith.constant 1 : i32
    %dma_start3A_115 = arith.constant 0 : i32
    %dma_start3A_116 = arith.constant 0 : i32
    %dma_start3A_117 = tpu.memref_slice %arg9[%dma_start3A_113, %dma_start3A_114, %dma_start3A_115, %dma_start3A_116] : memref<4x4x32x128xf32, #tpu.memory_space<vmem>> -> memref<1x1x32x128xf32, #tpu.memory_space<vmem>>
    %dma_start3A_118 = tpu.memref_squeeze %dma_start3A_117 : memref<1x1x32x128xf32, #tpu.memory_space<vmem>> -> memref<32x128xf32, #tpu.memory_space<vmem>>
    %dma_start3A_119 = arith.constant 0 : i32
    %dma_start3A_120 = tpu.memref_slice %arg4[%dma_start3A_119, %multiple_of3A_112] : memref<32x1000001xf32, #tpu.memory_space<hbm>> -> memref<32x128xf32, #tpu.memory_space<hbm>>
    %dma_start3A_121 = arith.constant 0 : i32
    %dma_start3A_122 = arith.constant 0 : i32
    %dma_start3A_123 = tpu.memref_slice %arg9[%dma_start3A_113, %dma_start3A_114, %dma_start3A_121, %dma_start3A_122] : memref<4x4x32x128xf32, #tpu.memory_space<vmem>> -> memref<1x1x32x128xf32, #tpu.memory_space<vmem>>
    %dma_start3A_124 = tpu.memref_squeeze %dma_start3A_123 : memref<1x1x32x128xf32, #tpu.memory_space<vmem>> -> memref<32x128xf32, #tpu.memory_space<vmem>>
    %dma_start3A_125 = arith.constant 0 : i32
    %dma_start3A_126 = tpu.memref_slice %arg4[%dma_start3A_125, %multiple_of3A_112] : memref<32x1000001xf32, #tpu.memory_space<hbm>> -> memref<32x128xf32, #tpu.memory_space<hbm>>
    tpu.enqueue_dma source(%dma_start3A_126 : memref<32x128xf32, #tpu.memory_space<hbm>>) target(%dma_start3A_124 : memref<32x128xf32, #tpu.memory_space<vmem>>) target_semaphore(%arg11 : memref<!tpu.dma_semaphore, #tpu.memory_space<semaphore_mem>>)
    %slice3A_127 = vector.extract_strided_slice %get3A_84 {offsets = [2], sizes = [1], strides = [1]} : vector<16xi32> to vector<1xi32>
    %squeeze3A_128 = vector.extract %slice3A_127[0] : i32 from vector<1xi32>
    %shift_right_logical3A_129 = arith.constant 7 : i32
    %shift_right_logical3A_130 = arith.shrui %squeeze3A_128, %shift_right_logical3A_129 : i32
    %mul3A_131 = arith.constant 128 : i32
    %mul3A_132 = arith.muli %shift_right_logical3A_130, %mul3A_131 : i32
    %multiple_of3A_133 = tpu.assume_multiple %mul3A_132, 128 : i32
    %dma_start3A_134 = arith.constant 1 : i32
    %dma_start3A_135 = arith.constant 2 : i32
    %dma_start3A_136 = arith.constant 0 : i32
    %dma_start3A_137 = arith.constant 0 : i32
    %dma_start3A_138 = tpu.memref_slice %arg9[%dma_start3A_134, %dma_start3A_135, %dma_start3A_136, %dma_start3A_137] : memref<4x4x32x128xf32, #tpu.memory_space<vmem>> -> memref<1x1x32x128xf32, #tpu.memory_space<vmem>>
    %dma_start3A_139 = tpu.memref_squeeze %dma_start3A_138 : memref<1x1x32x128xf32, #tpu.memory_space<vmem>> -> memref<32x128xf32, #tpu.memory_space<vmem>>
    %dma_start3A_140 = arith.constant 0 : i32
    %dma_start3A_141 = tpu.memref_slice %arg4[%dma_start3A_140, %multiple_of3A_133] : memref<32x1000001xf32, #tpu.memory_space<hbm>> -> memref<32x128xf32, #tpu.memory_space<hbm>>
    %dma_start3A_142 = arith.constant 0 : i32
    %dma_start3A_143 = arith.constant 0 : i32
    %dma_start3A_144 = tpu.memref_slice %arg9[%dma_start3A_134, %dma_start3A_135, %dma_start3A_142, %dma_start3A_143] : memref<4x4x32x128xf32, #tpu.memory_space<vmem>> -> memref<1x1x32x128xf32, #tpu.memory_space<vmem>>
    %dma_start3A_145 = tpu.memref_squeeze %dma_start3A_144 : memref<1x1x32x128xf32, #tpu.memory_space<vmem>> -> memref<32x128xf32, #tpu.memory_space<vmem>>
    %dma_start3A_146 = arith.constant 0 : i32
    %dma_start3A_147 = tpu.memref_slice %arg4[%dma_start3A_146, %multiple_of3A_133] : memref<32x1000001xf32, #tpu.memory_space<hbm>> -> memref<32x128xf32, #tpu.memory_space<hbm>>
    tpu.enqueue_dma source(%dma_start3A_147 : memref<32x128xf32, #tpu.memory_space<hbm>>) target(%dma_start3A_145 : memref<32x128xf32, #tpu.memory_space<vmem>>) target_semaphore(%arg11 : memref<!tpu.dma_semaphore, #tpu.memory_space<semaphore_mem>>)
    %slice3A_148 = vector.extract_strided_slice %get3A_84 {offsets = [3], sizes = [1], strides = [1]} : vector<16xi32> to vector<1xi32>
    %squeeze3A_149 = vector.extract %slice3A_148[0] : i32 from vector<1xi32>
    %shift_right_logical3A_150 = arith.constant 7 : i32
    %shift_right_logical3A_151 = arith.shrui %squeeze3A_149, %shift_right_logical3A_150 : i32
    %mul3A_152 = arith.constant 128 : i32
    %mul3A_153 = arith.muli %shift_right_logical3A_151, %mul3A_152 : i32
    %multiple_of3A_154 = tpu.assume_multiple %mul3A_153, 128 : i32
    %dma_start3A_155 = arith.constant 1 : i32
    %dma_start3A_156 = arith.constant 3 : i32
    %dma_start3A_157 = arith.constant 0 : i32
    %dma_start3A_158 = arith.constant 0 : i32
    %dma_start3A_159 = tpu.memref_slice %arg9[%dma_start3A_155, %dma_start3A_156, %dma_start3A_157, %dma_start3A_158] : memref<4x4x32x128xf32, #tpu.memory_space<vmem>> -> memref<1x1x32x128xf32, #tpu.memory_space<vmem>>
    %dma_start3A_160 = tpu.memref_squeeze %dma_start3A_159 : memref<1x1x32x128xf32, #tpu.memory_space<vmem>> -> memref<32x128xf32, #tpu.memory_space<vmem>>
    %dma_start3A_161 = arith.constant 0 : i32
    %dma_start3A_162 = tpu.memref_slice %arg4[%dma_start3A_161, %multiple_of3A_154] : memref<32x1000001xf32, #tpu.memory_space<hbm>> -> memref<32x128xf32, #tpu.memory_space<hbm>>
    %dma_start3A_163 = arith.constant 0 : i32
    %dma_start3A_164 = arith.constant 0 : i32
    %dma_start3A_165 = tpu.memref_slice %arg9[%dma_start3A_155, %dma_start3A_156, %dma_start3A_163, %dma_start3A_164] : memref<4x4x32x128xf32, #tpu.memory_space<vmem>> -> memref<1x1x32x128xf32, #tpu.memory_space<vmem>>
    %dma_start3A_166 = tpu.memref_squeeze %dma_start3A_165 : memref<1x1x32x128xf32, #tpu.memory_space<vmem>> -> memref<32x128xf32, #tpu.memory_space<vmem>>
    %dma_start3A_167 = arith.constant 0 : i32
    %dma_start3A_168 = tpu.memref_slice %arg4[%dma_start3A_167, %multiple_of3A_154] : memref<32x1000001xf32, #tpu.memory_space<hbm>> -> memref<32x128xf32, #tpu.memory_space<hbm>>
    tpu.enqueue_dma source(%dma_start3A_168 : memref<32x128xf32, #tpu.memory_space<hbm>>) target(%dma_start3A_166 : memref<32x128xf32, #tpu.memory_space<vmem>>) target_semaphore(%arg11 : memref<!tpu.dma_semaphore, #tpu.memory_space<semaphore_mem>>)
    %get3A_169 = arith.constant 8 : index
    %get3A_170 = tpu.vector_load %arg8[%get3A_169] {strides = array<i32>} : memref<544xi32, #tpu.memory_space<vmem>>, vector<16xi32>,
    %slice3A_171 = vector.extract_strided_slice %get3A_170 {offsets = [0], sizes = [1], strides = [1]} : vector<16xi32> to vector<1xi32>
    %squeeze3A_172 = vector.extract %slice3A_171[0] : i32 from vector<1xi32>
    %shift_right_logical3A_173 = arith.constant 7 : i32
    %shift_right_logical3A_174 = arith.shrui %squeeze3A_172, %shift_right_logical3A_173 : i32
    %mul3A_175 = arith.constant 128 : i32
    %mul3A_176 = arith.muli %shift_right_logical3A_174, %mul3A_175 : i32
    %multiple_of3A_177 = tpu.assume_multiple %mul3A_176, 128 : i32
    %dma_start3A_178 = arith.constant 2 : i32
    %dma_start3A_179 = arith.constant 0 : i32
    %dma_start3A_180 = arith.constant 0 : i32
    %dma_start3A_181 = arith.constant 0 : i32
    %dma_start3A_182 = tpu.memref_slice %arg9[%dma_start3A_178, %dma_start3A_179, %dma_start3A_180, %dma_start3A_181] : memref<4x4x32x128xf32, #tpu.memory_space<vmem>> -> memref<1x1x32x128xf32, #tpu.memory_space<vmem>>
    %dma_start3A_183 = tpu.memref_squeeze %dma_start3A_182 : memref<1x1x32x128xf32, #tpu.memory_space<vmem>> -> memref<32x128xf32, #tpu.memory_space<vmem>>
    %dma_start3A_184 = arith.constant 0 : i32
    %dma_start3A_185 = tpu.memref_slice %arg4[%dma_start3A_184, %multiple_of3A_177] : memref<32x1000001xf32, #tpu.memory_space<hbm>> -> memref<32x128xf32, #tpu.memory_space<hbm>>
    %dma_start3A_186 = arith.constant 0 : i32
    %dma_start3A_187 = arith.constant 0 : i32
    %dma_start3A_188 = tpu.memref_slice %arg9[%dma_start3A_178, %dma_start3A_179, %dma_start3A_186, %dma_start3A_187] : memref<4x4x32x128xf32, #tpu.memory_space<vmem>> -> memref<1x1x32x128xf32, #tpu.memory_space<vmem>>
    %dma_start3A_189 = tpu.memref_squeeze %dma_start3A_188 : memref<1x1x32x128xf32, #tpu.memory_space<vmem>> -> memref<32x128xf32, #tpu.memory_space<vmem>>
    %dma_start3A_190 = arith.constant 0 : i32
    %dma_start3A_191 = tpu.memref_slice %arg4[%dma_start3A_190, %multiple_of3A_177] : memref<32x1000001xf32, #tpu.memory_space<hbm>> -> memref<32x128xf32, #tpu.memory_space<hbm>>
    tpu.enqueue_dma source(%dma_start3A_191 : memref<32x128xf32, #tpu.memory_space<hbm>>) target(%dma_start3A_189 : memref<32x128xf32, #tpu.memory_space<vmem>>) target_semaphore(%arg11 : memref<!tpu.dma_semaphore, #tpu.memory_space<semaphore_mem>>)
    %slice3A_192 = vector.extract_strided_slice %get3A_170 {offsets = [1], sizes = [1], strides = [1]} : vector<16xi32> to vector<1xi32>
    %squeeze3A_193 = vector.extract %slice3A_192[0] : i32 from vector<1xi32>
    %shift_right_logical3A_194 = arith.constant 7 : i32
    %shift_right_logical3A_195 = arith.shrui %squeeze3A_193, %shift_right_logical3A_194 : i32
    %mul3A_196 = arith.constant 128 : i32
    %mul3A_197 = arith.muli %shift_right_logical3A_195, %mul3A_196 : i32
    %multiple_of3A_198 = tpu.assume_multiple %mul3A_197, 128 : i32
    %dma_start3A_199 = arith.constant 2 : i32
    %dma_start3A_200 = arith.constant 1 : i32
    %dma_start3A_201 = arith.constant 0 : i32
    %dma_start3A_202 = arith.constant 0 : i32
    %dma_start3A_203 = tpu.memref_slice %arg9[%dma_start3A_199, %dma_start3A_200, %dma_start3A_201, %dma_start3A_202] : memref<4x4x32x128xf32, #tpu.memory_space<vmem>> -> memref<1x1x32x128xf32, #tpu.memory_space<vmem>>
    %dma_start3A_204 = tpu.memref_squeeze %dma_start3A_203 : memref<1x1x32x128xf32, #tpu.memory_space<vmem>> -> memref<32x128xf32, #tpu.memory_space<vmem>>
    %dma_start3A_205 = arith.constant 0 : i32
    %dma_start3A_206 = tpu.memref_slice %arg4[%dma_start3A_205, %multiple_of3A_198] : memref<32x1000001xf32, #tpu.memory_space<hbm>> -> memref<32x128xf32, #tpu.memory_space<hbm>>
    %dma_start3A_207 = arith.constant 0 : i32
    %dma_start3A_208 = arith.constant 0 : i32
    %dma_start3A_209 = tpu.memref_slice %arg9[%dma_start3A_199, %dma_start3A_200, %dma_start3A_207, %dma_start3A_208] : memref<4x4x32x128xf32, #tpu.memory_space<vmem>> -> memref<1x1x32x128xf32, #tpu.memory_space<vmem>>
    %dma_start3A_210 = tpu.memref_squeeze %dma_start3A_209 : memref<1x1x32x128xf32, #tpu.memory_space<vmem>> -> memref<32x128xf32, #tpu.memory_space<vmem>>
    %dma_start3A_211 = arith.constant 0 : i32
    %dma_start3A_212 = tpu.memref_slice %arg4[%dma_start3A_211, %multiple_of3A_198] : memref<32x1000001xf32, #tpu.memory_space<hbm>> -> memref<32x128xf32, #tpu.memory_space<hbm>>
    tpu.enqueue_dma source(%dma_start3A_212 : memref<32x128xf32, #tpu.memory_space<hbm>>) target(%dma_start3A_210 : memref<32x128xf32, #tpu.memory_space<vmem>>) target_semaphore(%arg11 : memref<!tpu.dma_semaphore, #tpu.memory_space<semaphore_mem>>)
    %slice3A_213 = vector.extract_strided_slice %get3A_170 {offsets = [2], sizes = [1], strides = [1]} : vector<16xi32> to vector<1xi32>
    %squeeze3A_214 = vector.extract %slice3A_213[0] : i32 from vector<1xi32>
    %shift_right_logical3A_215 = arith.constant 7 : i32
    %shift_right_logical3A_216 = arith.shrui %squeeze3A_214, %shift_right_logical3A_215 : i32
    %mul3A_217 = arith.constant 128 : i32
    %mul3A_218 = arith.muli %shift_right_logical3A_216, %mul3A_217 : i32
    %multiple_of3A_219 = tpu.assume_multiple %mul3A_218, 128 : i32
    %dma_start3A_220 = arith.constant 2 : i32
    %dma_start3A_221 = arith.constant 2 : i32
    %dma_start3A_222 = arith.constant 0 : i32
    %dma_start3A_223 = arith.constant 0 : i32
    %dma_start3A_224 = tpu.memref_slice %arg9[%dma_start3A_220, %dma_start3A_221, %dma_start3A_222, %dma_start3A_223] : memref<4x4x32x128xf32, #tpu.memory_space<vmem>> -> memref<1x1x32x128xf32, #tpu.memory_space<vmem>>
    %dma_start3A_225 = tpu.memref_squeeze %dma_start3A_224 : memref<1x1x32x128xf32, #tpu.memory_space<vmem>> -> memref<32x128xf32, #tpu.memory_space<vmem>>
    %dma_start3A_226 = arith.constant 0 : i32
    %dma_start3A_227 = tpu.memref_slice %arg4[%dma_start3A_226, %multiple_of3A_219] : memref<32x1000001xf32, #tpu.memory_space<hbm>> -> memref<32x128xf32, #tpu.memory_space<hbm>>
    %dma_start3A_228 = arith.constant 0 : i32
    %dma_start3A_229 = arith.constant 0 : i32
    %dma_start3A_230 = tpu.memref_slice %arg9[%dma_start3A_220, %dma_start3A_221, %dma_start3A_228, %dma_start3A_229] : memref<4x4x32x128xf32, #tpu.memory_space<vmem>> -> memref<1x1x32x128xf32, #tpu.memory_space<vmem>>
    %dma_start3A_231 = tpu.memref_squeeze %dma_start3A_230 : memref<1x1x32x128xf32, #tpu.memory_space<vmem>> -> memref<32x128xf32, #tpu.memory_space<vmem>>
    %dma_start3A_232 = arith.constant 0 : i32
    %dma_start3A_233 = tpu.memref_slice %arg4[%dma_start3A_232, %multiple_of3A_219] : memref<32x1000001xf32, #tpu.memory_space<hbm>> -> memref<32x128xf32, #tpu.memory_space<hbm>>
    tpu.enqueue_dma source(%dma_start3A_233 : memref<32x128xf32, #tpu.memory_space<hbm>>) target(%dma_start3A_231 : memref<32x128xf32, #tpu.memory_space<vmem>>) target_semaphore(%arg11 : memref<!tpu.dma_semaphore, #tpu.memory_space<semaphore_mem>>)
    %slice3A_234 = vector.extract_strided_slice %get3A_170 {offsets = [3], sizes = [1], strides = [1]} : vector<16xi32> to vector<1xi32>
    %squeeze3A_235 = vector.extract %slice3A_234[0] : i32 from vector<1xi32>
    %shift_right_logical3A_236 = arith.constant 7 : i32
    %shift_right_logical3A_237 = arith.shrui %squeeze3A_235, %shift_right_logical3A_236 : i32
    %mul3A_238 = arith.constant 128 : i32
    %mul3A_239 = arith.muli %shift_right_logical3A_237, %mul3A_238 : i32
    %multiple_of3A_240 = tpu.assume_multiple %mul3A_239, 128 : i32
    %dma_start3A_241 = arith.constant 2 : i32
    %dma_start3A_242 = arith.constant 3 : i32
    %dma_start3A_243 = arith.constant 0 : i32
    %dma_start3A_244 = arith.constant 0 : i32
    %dma_start3A_245 = tpu.memref_slice %arg9[%dma_start3A_241, %dma_start3A_242, %dma_start3A_243, %dma_start3A_244] : memref<4x4x32x128xf32, #tpu.memory_space<vmem>> -> memref<1x1x32x128xf32, #tpu.memory_space<vmem>>
    %dma_start3A_246 = tpu.memref_squeeze %dma_start3A_245 : memref<1x1x32x128xf32, #tpu.memory_space<vmem>> -> memref<32x128xf32, #tpu.memory_space<vmem>>
    %dma_start3A_247 = arith.constant 0 : i32
    %dma_start3A_248 = tpu.memref_slice %arg4[%dma_start3A_247, %multiple_of3A_240] : memref<32x1000001xf32, #tpu.memory_space<hbm>> -> memref<32x128xf32, #tpu.memory_space<hbm>>
    %dma_start3A_249 = arith.constant 0 : i32
    %dma_start3A_250 = arith.constant 0 : i32
    %dma_start3A_251 = tpu.memref_slice %arg9[%dma_start3A_241, %dma_start3A_242, %dma_start3A_249, %dma_start3A_250] : memref<4x4x32x128xf32, #tpu.memory_space<vmem>> -> memref<1x1x32x128xf32, #tpu.memory_space<vmem>>
    %dma_start3A_252 = tpu.memref_squeeze %dma_start3A_251 : memref<1x1x32x128xf32, #tpu.memory_space<vmem>> -> memref<32x128xf32, #tpu.memory_space<vmem>>
    %dma_start3A_253 = arith.constant 0 : i32
    %dma_start3A_254 = tpu.memref_slice %arg4[%dma_start3A_253, %multiple_of3A_240] : memref<32x1000001xf32, #tpu.memory_space<hbm>> -> memref<32x128xf32, #tpu.memory_space<hbm>>
    tpu.enqueue_dma source(%dma_start3A_254 : memref<32x128xf32, #tpu.memory_space<hbm>>) target(%dma_start3A_252 : memref<32x128xf32, #tpu.memory_space<vmem>>) target_semaphore(%arg11 : memref<!tpu.dma_semaphore, #tpu.memory_space<semaphore_mem>>)
    %scan3A = arith.constant 0 : i32
    %scan3A_255 = arith.constant 0 : i32
    %scan3A_256 = arith.constant 128 : i32
    %scan3A_257 = arith.addi %scan3A_255, %scan3A_256 : i32
    %scan3A_258 = arith.constant 1 : i32
    %scan3A_259 = scf.for %scan3A_526 = %scan3A_255 to %scan3A_257 step %scan3A_258 iter_args(%scan3A_527 = %scan3A) -> (i32)  : i32 {
      %rem3A = arith.constant 4 : i32
      %rem3A_528 = arith.remsi %scan3A_526, %rem3A : i32
      %mul3A_529 = arith.constant 4 : i32
      %mul3A_530 = arith.muli %scan3A_526, %mul3A_529 : i32
      %get3A_531 = arith.index_cast %mul3A_530 : i32 to index
      %get3A_532 = tpu.vector_load %arg8[%get3A_531] {strides = array<i32>} : memref<544xi32, #tpu.memory_space<vmem>>, vector<16xi32>,
      %add3A_533 = arith.constant 4 : i32
      %add3A_534 = arith.addi %scan3A_526, %add3A_533 : i32
      %sub3A = arith.constant 1 : i32
      %sub3A_535 = arith.subi %add3A_534, %sub3A : i32
      %lt3A = arith.constant 128 : i32
      %lt3A_536 = arith.cmpi slt, %sub3A_535, %lt3A : i32
      %convert_element_type3A = arith.extui %lt3A_536 : i1 to i32
      %cond3A = arith.constant 0 : i32
      %cond3A_537 = arith.cmpi ne, %convert_element_type3A, %cond3A : i32
      scf.if %cond3A_537 {
        %add3A_728 = arith.constant 4 : i32
        %add3A_729 = arith.addi %scan3A_526, %add3A_728 : i32
        %sub3A_730 = arith.constant 1 : i32
        %sub3A_731 = arith.subi %add3A_729, %sub3A_730 : i32
        %mul3A_732 = arith.constant 4 : i32
        %mul3A_733 = arith.muli %sub3A_731, %mul3A_732 : i32
        %get3A_734 = arith.index_cast %mul3A_733 : i32 to index
        %get3A_735 = tpu.vector_load %arg8[%get3A_734] {strides = array<i32>} : memref<544xi32, #tpu.memory_space<vmem>>, vector<16xi32>,
        %add3A_736 = arith.constant 4 : i32
        %add3A_737 = arith.addi %scan3A_526, %add3A_736 : i32
        %sub3A_738 = arith.constant 1 : i32
        %sub3A_739 = arith.subi %add3A_737, %sub3A_738 : i32
        %rem3A_740 = arith.constant 4 : i32
        %rem3A_741 = arith.remsi %sub3A_739, %rem3A_740 : i32
        %slice3A_742 = vector.extract_strided_slice %get3A_735 {offsets = [0], sizes = [1], strides = [1]} : vector<16xi32> to vector<1xi32>
        %squeeze3A_743 = vector.extract %slice3A_742[0] : i32 from vector<1xi32>
        %shift_right_logical3A_744 = arith.constant 7 : i32
        %shift_right_logical3A_745 = arith.shrui %squeeze3A_743, %shift_right_logical3A_744 : i32
        %mul3A_746 = arith.constant 128 : i32
        %mul3A_747 = arith.muli %shift_right_logical3A_745, %mul3A_746 : i32
        %multiple_of3A_748 = tpu.assume_multiple %mul3A_747, 128 : i32
        %dma_start3A_749 = arith.constant 0 : i32
        %dma_start3A_750 = arith.constant 0 : i32
        %dma_start3A_751 = arith.constant 0 : i32
        %dma_start3A_752 = tpu.memref_slice %arg9[%rem3A_741, %dma_start3A_749, %dma_start3A_750, %dma_start3A_751] : memref<4x4x32x128xf32, #tpu.memory_space<vmem>> -> memref<1x1x32x128xf32, #tpu.memory_space<vmem>>
        %dma_start3A_753 = tpu.memref_squeeze %dma_start3A_752 : memref<1x1x32x128xf32, #tpu.memory_space<vmem>> -> memref<32x128xf32, #tpu.memory_space<vmem>>
        %dma_start3A_754 = arith.constant 0 : i32
        %dma_start3A_755 = tpu.memref_slice %arg4[%dma_start3A_754, %multiple_of3A_748] : memref<32x1000001xf32, #tpu.memory_space<hbm>> -> memref<32x128xf32, #tpu.memory_space<hbm>>
        %dma_start3A_756 = arith.constant 0 : i32
        %dma_start3A_757 = arith.constant 0 : i32
        %dma_start3A_758 = tpu.memref_slice %arg9[%rem3A_741, %dma_start3A_749, %dma_start3A_756, %dma_start3A_757] : memref<4x4x32x128xf32, #tpu.memory_space<vmem>> -> memref<1x1x32x128xf32, #tpu.memory_space<vmem>>
        %dma_start3A_759 = tpu.memref_squeeze %dma_start3A_758 : memref<1x1x32x128xf32, #tpu.memory_space<vmem>> -> memref<32x128xf32, #tpu.memory_space<vmem>>
        %dma_start3A_760 = arith.constant 0 : i32
        %dma_start3A_761 = tpu.memref_slice %arg4[%dma_start3A_760, %multiple_of3A_748] : memref<32x1000001xf32, #tpu.memory_space<hbm>> -> memref<32x128xf32, #tpu.memory_space<hbm>>
        tpu.enqueue_dma source(%dma_start3A_761 : memref<32x128xf32, #tpu.memory_space<hbm>>) target(%dma_start3A_759 : memref<32x128xf32, #tpu.memory_space<vmem>>) target_semaphore(%arg11 : memref<!tpu.dma_semaphore, #tpu.memory_space<semaphore_mem>>)
        %slice3A_762 = vector.extract_strided_slice %get3A_735 {offsets = [1], sizes = [1], strides = [1]} : vector<16xi32> to vector<1xi32>
        %squeeze3A_763 = vector.extract %slice3A_762[0] : i32 from vector<1xi32>
        %shift_right_logical3A_764 = arith.constant 7 : i32
        %shift_right_logical3A_765 = arith.shrui %squeeze3A_763, %shift_right_logical3A_764 : i32
        %mul3A_766 = arith.constant 128 : i32
        %mul3A_767 = arith.muli %shift_right_logical3A_765, %mul3A_766 : i32
        %multiple_of3A_768 = tpu.assume_multiple %mul3A_767, 128 : i32
        %dma_start3A_769 = arith.constant 1 : i32
        %dma_start3A_770 = arith.constant 0 : i32
        %dma_start3A_771 = arith.constant 0 : i32
        %dma_start3A_772 = tpu.memref_slice %arg9[%rem3A_741, %dma_start3A_769, %dma_start3A_770, %dma_start3A_771] : memref<4x4x32x128xf32, #tpu.memory_space<vmem>> -> memref<1x1x32x128xf32, #tpu.memory_space<vmem>>
        %dma_start3A_773 = tpu.memref_squeeze %dma_start3A_772 : memref<1x1x32x128xf32, #tpu.memory_space<vmem>> -> memref<32x128xf32, #tpu.memory_space<vmem>>
        %dma_start3A_774 = arith.constant 0 : i32
        %dma_start3A_775 = tpu.memref_slice %arg4[%dma_start3A_774, %multiple_of3A_768] : memref<32x1000001xf32, #tpu.memory_space<hbm>> -> memref<32x128xf32, #tpu.memory_space<hbm>>
        %dma_start3A_776 = arith.constant 0 : i32
        %dma_start3A_777 = arith.constant 0 : i32
        %dma_start3A_778 = tpu.memref_slice %arg9[%rem3A_741, %dma_start3A_769, %dma_start3A_776, %dma_start3A_777] : memref<4x4x32x128xf32, #tpu.memory_space<vmem>> -> memref<1x1x32x128xf32, #tpu.memory_space<vmem>>
        %dma_start3A_779 = tpu.memref_squeeze %dma_start3A_778 : memref<1x1x32x128xf32, #tpu.memory_space<vmem>> -> memref<32x128xf32, #tpu.memory_space<vmem>>
        %dma_start3A_780 = arith.constant 0 : i32
        %dma_start3A_781 = tpu.memref_slice %arg4[%dma_start3A_780, %multiple_of3A_768] : memref<32x1000001xf32, #tpu.memory_space<hbm>> -> memref<32x128xf32, #tpu.memory_space<hbm>>
        tpu.enqueue_dma source(%dma_start3A_781 : memref<32x128xf32, #tpu.memory_space<hbm>>) target(%dma_start3A_779 : memref<32x128xf32, #tpu.memory_space<vmem>>) target_semaphore(%arg11 : memref<!tpu.dma_semaphore, #tpu.memory_space<semaphore_mem>>)
        %slice3A_782 = vector.extract_strided_slice %get3A_735 {offsets = [2], sizes = [1], strides = [1]} : vector<16xi32> to vector<1xi32>
        %squeeze3A_783 = vector.extract %slice3A_782[0] : i32 from vector<1xi32>
        %shift_right_logical3A_784 = arith.constant 7 : i32
        %shift_right_logical3A_785 = arith.shrui %squeeze3A_783, %shift_right_logical3A_784 : i32
        %mul3A_786 = arith.constant 128 : i32
        %mul3A_787 = arith.muli %shift_right_logical3A_785, %mul3A_786 : i32
        %multiple_of3A_788 = tpu.assume_multiple %mul3A_787, 128 : i32
        %dma_start3A_789 = arith.constant 2 : i32
        %dma_start3A_790 = arith.constant 0 : i32
        %dma_start3A_791 = arith.constant 0 : i32
        %dma_start3A_792 = tpu.memref_slice %arg9[%rem3A_741, %dma_start3A_789, %dma_start3A_790, %dma_start3A_791] : memref<4x4x32x128xf32, #tpu.memory_space<vmem>> -> memref<1x1x32x128xf32, #tpu.memory_space<vmem>>
        %dma_start3A_793 = tpu.memref_squeeze %dma_start3A_792 : memref<1x1x32x128xf32, #tpu.memory_space<vmem>> -> memref<32x128xf32, #tpu.memory_space<vmem>>
        %dma_start3A_794 = arith.constant 0 : i32
        %dma_start3A_795 = tpu.memref_slice %arg4[%dma_start3A_794, %multiple_of3A_788] : memref<32x1000001xf32, #tpu.memory_space<hbm>> -> memref<32x128xf32, #tpu.memory_space<hbm>>
        %dma_start3A_796 = arith.constant 0 : i32
        %dma_start3A_797 = arith.constant 0 : i32
        %dma_start3A_798 = tpu.memref_slice %arg9[%rem3A_741, %dma_start3A_789, %dma_start3A_796, %dma_start3A_797] : memref<4x4x32x128xf32, #tpu.memory_space<vmem>> -> memref<1x1x32x128xf32, #tpu.memory_space<vmem>>
        %dma_start3A_799 = tpu.memref_squeeze %dma_start3A_798 : memref<1x1x32x128xf32, #tpu.memory_space<vmem>> -> memref<32x128xf32, #tpu.memory_space<vmem>>
        %dma_start3A_800 = arith.constant 0 : i32
        %dma_start3A_801 = tpu.memref_slice %arg4[%dma_start3A_800, %multiple_of3A_788] : memref<32x1000001xf32, #tpu.memory_space<hbm>> -> memref<32x128xf32, #tpu.memory_space<hbm>>
        tpu.enqueue_dma source(%dma_start3A_801 : memref<32x128xf32, #tpu.memory_space<hbm>>) target(%dma_start3A_799 : memref<32x128xf32, #tpu.memory_space<vmem>>) target_semaphore(%arg11 : memref<!tpu.dma_semaphore, #tpu.memory_space<semaphore_mem>>)
        %slice3A_802 = vector.extract_strided_slice %get3A_735 {offsets = [3], sizes = [1], strides = [1]} : vector<16xi32> to vector<1xi32>
        %squeeze3A_803 = vector.extract %slice3A_802[0] : i32 from vector<1xi32>
        %shift_right_logical3A_804 = arith.constant 7 : i32
        %shift_right_logical3A_805 = arith.shrui %squeeze3A_803, %shift_right_logical3A_804 : i32
        %mul3A_806 = arith.constant 128 : i32
        %mul3A_807 = arith.muli %shift_right_logical3A_805, %mul3A_806 : i32
        %multiple_of3A_808 = tpu.assume_multiple %mul3A_807, 128 : i32
        %dma_start3A_809 = arith.constant 3 : i32
        %dma_start3A_810 = arith.constant 0 : i32
        %dma_start3A_811 = arith.constant 0 : i32
        %dma_start3A_812 = tpu.memref_slice %arg9[%rem3A_741, %dma_start3A_809, %dma_start3A_810, %dma_start3A_811] : memref<4x4x32x128xf32, #tpu.memory_space<vmem>> -> memref<1x1x32x128xf32, #tpu.memory_space<vmem>>
        %dma_start3A_813 = tpu.memref_squeeze %dma_start3A_812 : memref<1x1x32x128xf32, #tpu.memory_space<vmem>> -> memref<32x128xf32, #tpu.memory_space<vmem>>
        %dma_start3A_814 = arith.constant 0 : i32
        %dma_start3A_815 = tpu.memref_slice %arg4[%dma_start3A_814, %multiple_of3A_808] : memref<32x1000001xf32, #tpu.memory_space<hbm>> -> memref<32x128xf32, #tpu.memory_space<hbm>>
        %dma_start3A_816 = arith.constant 0 : i32
        %dma_start3A_817 = arith.constant 0 : i32
        %dma_start3A_818 = tpu.memref_slice %arg9[%rem3A_741, %dma_start3A_809, %dma_start3A_816, %dma_start3A_817] : memref<4x4x32x128xf32, #tpu.memory_space<vmem>> -> memref<1x1x32x128xf32, #tpu.memory_space<vmem>>
        %dma_start3A_819 = tpu.memref_squeeze %dma_start3A_818 : memref<1x1x32x128xf32, #tpu.memory_space<vmem>> -> memref<32x128xf32, #tpu.memory_space<vmem>>
        %dma_start3A_820 = arith.constant 0 : i32
        %dma_start3A_821 = tpu.memref_slice %arg4[%dma_start3A_820, %multiple_of3A_808] : memref<32x1000001xf32, #tpu.memory_space<hbm>> -> memref<32x128xf32, #tpu.memory_space<hbm>>
        tpu.enqueue_dma source(%dma_start3A_821 : memref<32x128xf32, #tpu.memory_space<hbm>>) target(%dma_start3A_819 : memref<32x128xf32, #tpu.memory_space<vmem>>) target_semaphore(%arg11 : memref<!tpu.dma_semaphore, #tpu.memory_space<semaphore_mem>>)
      } else {
      }
      %dma_wait3A = arith.constant 0 : i32
      %dma_wait3A_538 = arith.constant 0 : i32
      %dma_wait3A_539 = arith.constant 0 : i32
      %dma_wait3A_540 = tpu.memref_slice %arg9[%rem3A_528, %dma_wait3A, %dma_wait3A_538, %dma_wait3A_539] : memref<4x4x32x128xf32, #tpu.memory_space<vmem>> -> memref<1x1x32x128xf32, #tpu.memory_space<vmem>>
      %dma_wait3A_541 = tpu.memref_squeeze %dma_wait3A_540 : memref<1x1x32x128xf32, #tpu.memory_space<vmem>> -> memref<32x128xf32, #tpu.memory_space<vmem>>
      %dma_wait3A_542 = arith.constant 0 : i32
      %dma_wait3A_543 = arith.constant 0 : i32
      %dma_wait3A_544 = tpu.memref_slice %arg4[%dma_wait3A_542, %dma_wait3A_543] : memref<32x1000001xf32, #tpu.memory_space<hbm>> -> memref<32x128xf32, #tpu.memory_space<hbm>>
      %dma_wait3A_545 = arith.constant 0 : i32
      %dma_wait3A_546 = arith.constant 0 : i32
      %dma_wait3A_547 = tpu.memref_slice %arg9[%rem3A_528, %dma_wait3A, %dma_wait3A_545, %dma_wait3A_546] : memref<4x4x32x128xf32, #tpu.memory_space<vmem>> -> memref<1x1x32x128xf32, #tpu.memory_space<vmem>>
      %dma_wait3A_548 = tpu.memref_squeeze %dma_wait3A_547 : memref<1x1x32x128xf32, #tpu.memory_space<vmem>> -> memref<32x128xf32, #tpu.memory_space<vmem>>
      %dma_wait3A_549 = arith.constant 0 : i32
      %dma_wait3A_550 = arith.constant 0 : i32
      %dma_wait3A_551 = tpu.memref_slice %arg4[%dma_wait3A_549, %dma_wait3A_550] : memref<32x1000001xf32, #tpu.memory_space<hbm>> -> memref<32x128xf32, #tpu.memory_space<hbm>>
      tpu.wait_dma2 semaphore(%arg11 : memref<!tpu.dma_semaphore, #tpu.memory_space<semaphore_mem>>) src(%dma_wait3A_551 : memref<32x128xf32, #tpu.memory_space<hbm>>) dst(%dma_wait3A_548 : memref<32x128xf32, #tpu.memory_space<vmem>>)
      %dma_wait3A_552 = arith.constant 1 : i32
      %dma_wait3A_553 = arith.constant 0 : i32
      %dma_wait3A_554 = arith.constant 0 : i32
      %dma_wait3A_555 = tpu.memref_slice %arg9[%rem3A_528, %dma_wait3A_552, %dma_wait3A_553, %dma_wait3A_554] : memref<4x4x32x128xf32, #tpu.memory_space<vmem>> -> memref<1x1x32x128xf32, #tpu.memory_space<vmem>>
      %dma_wait3A_556 = tpu.memref_squeeze %dma_wait3A_555 : memref<1x1x32x128xf32, #tpu.memory_space<vmem>> -> memref<32x128xf32, #tpu.memory_space<vmem>>
      %dma_wait3A_557 = arith.constant 0 : i32
      %dma_wait3A_558 = arith.constant 0 : i32
      %dma_wait3A_559 = tpu.memref_slice %arg4[%dma_wait3A_557, %dma_wait3A_558] : memref<32x1000001xf32, #tpu.memory_space<hbm>> -> memref<32x128xf32, #tpu.memory_space<hbm>>
      %dma_wait3A_560 = arith.constant 0 : i32
      %dma_wait3A_561 = arith.constant 0 : i32
      %dma_wait3A_562 = tpu.memref_slice %arg9[%rem3A_528, %dma_wait3A_552, %dma_wait3A_560, %dma_wait3A_561] : memref<4x4x32x128xf32, #tpu.memory_space<vmem>> -> memref<1x1x32x128xf32, #tpu.memory_space<vmem>>
      %dma_wait3A_563 = tpu.memref_squeeze %dma_wait3A_562 : memref<1x1x32x128xf32, #tpu.memory_space<vmem>> -> memref<32x128xf32, #tpu.memory_space<vmem>>
      %dma_wait3A_564 = arith.constant 0 : i32
      %dma_wait3A_565 = arith.constant 0 : i32
      %dma_wait3A_566 = tpu.memref_slice %arg4[%dma_wait3A_564, %dma_wait3A_565] : memref<32x1000001xf32, #tpu.memory_space<hbm>> -> memref<32x128xf32, #tpu.memory_space<hbm>>
      tpu.wait_dma2 semaphore(%arg11 : memref<!tpu.dma_semaphore, #tpu.memory_space<semaphore_mem>>) src(%dma_wait3A_566 : memref<32x128xf32, #tpu.memory_space<hbm>>) dst(%dma_wait3A_563 : memref<32x128xf32, #tpu.memory_space<vmem>>)
      %dma_wait3A_567 = arith.constant 2 : i32
      %dma_wait3A_568 = arith.constant 0 : i32
      %dma_wait3A_569 = arith.constant 0 : i32
      %dma_wait3A_570 = tpu.memref_slice %arg9[%rem3A_528, %dma_wait3A_567, %dma_wait3A_568, %dma_wait3A_569] : memref<4x4x32x128xf32, #tpu.memory_space<vmem>> -> memref<1x1x32x128xf32, #tpu.memory_space<vmem>>
      %dma_wait3A_571 = tpu.memref_squeeze %dma_wait3A_570 : memref<1x1x32x128xf32, #tpu.memory_space<vmem>> -> memref<32x128xf32, #tpu.memory_space<vmem>>
      %dma_wait3A_572 = arith.constant 0 : i32
      %dma_wait3A_573 = arith.constant 0 : i32
      %dma_wait3A_574 = tpu.memref_slice %arg4[%dma_wait3A_572, %dma_wait3A_573] : memref<32x1000001xf32, #tpu.memory_space<hbm>> -> memref<32x128xf32, #tpu.memory_space<hbm>>
      %dma_wait3A_575 = arith.constant 0 : i32
      %dma_wait3A_576 = arith.constant 0 : i32
      %dma_wait3A_577 = tpu.memref_slice %arg9[%rem3A_528, %dma_wait3A_567, %dma_wait3A_575, %dma_wait3A_576] : memref<4x4x32x128xf32, #tpu.memory_space<vmem>> -> memref<1x1x32x128xf32, #tpu.memory_space<vmem>>
      %dma_wait3A_578 = tpu.memref_squeeze %dma_wait3A_577 : memref<1x1x32x128xf32, #tpu.memory_space<vmem>> -> memref<32x128xf32, #tpu.memory_space<vmem>>
      %dma_wait3A_579 = arith.constant 0 : i32
      %dma_wait3A_580 = arith.constant 0 : i32
      %dma_wait3A_581 = tpu.memref_slice %arg4[%dma_wait3A_579, %dma_wait3A_580] : memref<32x1000001xf32, #tpu.memory_space<hbm>> -> memref<32x128xf32, #tpu.memory_space<hbm>>
      tpu.wait_dma2 semaphore(%arg11 : memref<!tpu.dma_semaphore, #tpu.memory_space<semaphore_mem>>) src(%dma_wait3A_581 : memref<32x128xf32, #tpu.memory_space<hbm>>) dst(%dma_wait3A_578 : memref<32x128xf32, #tpu.memory_space<vmem>>)
      %dma_wait3A_582 = arith.constant 3 : i32
      %dma_wait3A_583 = arith.constant 0 : i32
      %dma_wait3A_584 = arith.constant 0 : i32
      %dma_wait3A_585 = tpu.memref_slice %arg9[%rem3A_528, %dma_wait3A_582, %dma_wait3A_583, %dma_wait3A_584] : memref<4x4x32x128xf32, #tpu.memory_space<vmem>> -> memref<1x1x32x128xf32, #tpu.memory_space<vmem>>
      %dma_wait3A_586 = tpu.memref_squeeze %dma_wait3A_585 : memref<1x1x32x128xf32, #tpu.memory_space<vmem>> -> memref<32x128xf32, #tpu.memory_space<vmem>>
      %dma_wait3A_587 = arith.constant 0 : i32
      %dma_wait3A_588 = arith.constant 0 : i32
      %dma_wait3A_589 = tpu.memref_slice %arg4[%dma_wait3A_587, %dma_wait3A_588] : memref<32x1000001xf32, #tpu.memory_space<hbm>> -> memref<32x128xf32, #tpu.memory_space<hbm>>
      %dma_wait3A_590 = arith.constant 0 : i32
      %dma_wait3A_591 = arith.constant 0 : i32
      %dma_wait3A_592 = tpu.memref_slice %arg9[%rem3A_528, %dma_wait3A_582, %dma_wait3A_590, %dma_wait3A_591] : memref<4x4x32x128xf32, #tpu.memory_space<vmem>> -> memref<1x1x32x128xf32, #tpu.memory_space<vmem>>
      %dma_wait3A_593 = tpu.memref_squeeze %dma_wait3A_592 : memref<1x1x32x128xf32, #tpu.memory_space<vmem>> -> memref<32x128xf32, #tpu.memory_space<vmem>>
      %dma_wait3A_594 = arith.constant 0 : i32
      %dma_wait3A_595 = arith.constant 0 : i32
      %dma_wait3A_596 = tpu.memref_slice %arg4[%dma_wait3A_594, %dma_wait3A_595] : memref<32x1000001xf32, #tpu.memory_space<hbm>> -> memref<32x128xf32, #tpu.memory_space<hbm>>
      tpu.wait_dma2 semaphore(%arg11 : memref<!tpu.dma_semaphore, #tpu.memory_space<semaphore_mem>>) src(%dma_wait3A_596 : memref<32x128xf32, #tpu.memory_space<hbm>>) dst(%dma_wait3A_593 : memref<32x128xf32, #tpu.memory_space<vmem>>)
      %mul3A_597 = arith.constant 4 : i32
      %mul3A_598 = arith.muli %scan3A_526, %mul3A_597 : i32
      %add3A_599 = arith.constant 0 : i32
      %add3A_600 = arith.addi %mul3A_598, %add3A_599 : i32
      %rem3A_601 = arith.constant 128 : i32
      %rem3A_602 = arith.remsi %add3A_600, %rem3A_601 : i32
      %slice3A_603 = vector.extract_strided_slice %get3A_532 {offsets = [0], sizes = [1], strides = [1]} : vector<16xi32> to vector<1xi32>
      %squeeze3A_604 = vector.extract %slice3A_603[0] : i32 from vector<1xi32>
      %and3A = arith.constant 127 : i32
      %and3A_605 = arith.andi %squeeze3A_604, %and3A : i32
      %broadcast_in_dim3A = vector.broadcast %and3A_605 : i32 to vector<16xi32>
      %gather3A = arith.constant 0 : i32
      %gather3A_606 = arith.constant 0 : i32
      %gather3A_607 = arith.constant 0 : i32
      %gather3A_608 = tpu.memref_slice %arg9[%rem3A_528, %gather3A, %gather3A_606, %gather3A_607] : memref<4x4x32x128xf32, #tpu.memory_space<vmem>> -> memref<1x1x32x128xf32, #tpu.memory_space<vmem>>
      %gather3A_609 = tpu.memref_squeeze %gather3A_608 : memref<1x1x32x128xf32, #tpu.memory_space<vmem>> -> memref<32x128xf32, #tpu.memory_space<vmem>>
      %gather3A_610 = tpu.vector_load_idx %gather3A_609[%iota3A, %broadcast_in_dim3A] : memref<32x128xf32, #tpu.memory_space<vmem>>[vector<16xi32>, vector<16xi32>], vector<16xf32>,
      %swap3A = arith.index_cast %rem3A_602 : i32 to index
      %swap3A_611 = arith.constant 0 : index
      %swap3A_612 = tpu.vector_load %arg10[%swap3A, %swap3A_611] {strides = array<i32>} : memref<128x32xf32, #tpu.memory_space<vmem>>, vector<16xf32>,
      tpu.vector_store %arg10[%swap3A, %swap3A_611], %gather3A_610 {strides = array<i32>} : memref<128x32xf32, #tpu.memory_space<vmem>>, vector<16xf32>,
      %add3A_613 = arith.constant 16 : i32
      %add3A_614 = vector.broadcast %add3A_613 : i32 to vector<16xi32>
      %add3A_615 = arith.addi %iota3A, %add3A_614 : vector<16xi32>
      %gather3A_616 = arith.constant 0 : i32
      %gather3A_617 = arith.constant 0 : i32
      %gather3A_618 = arith.constant 0 : i32
      %gather3A_619 = tpu.memref_slice %arg9[%rem3A_528, %gather3A_616, %gather3A_617, %gather3A_618] : memref<4x4x32x128xf32, #tpu.memory_space<vmem>> -> memref<1x1x32x128xf32, #tpu.memory_space<vmem>>
      %gather3A_620 = tpu.memref_squeeze %gather3A_619 : memref<1x1x32x128xf32, #tpu.memory_space<vmem>> -> memref<32x128xf32, #tpu.memory_space<vmem>>
      %gather3A_621 = tpu.vector_load_idx %gather3A_620[%add3A_615, %broadcast_in_dim3A] : memref<32x128xf32, #tpu.memory_space<vmem>>[vector<16xi32>, vector<16xi32>], vector<16xf32>,
      %swap3A_622 = arith.index_cast %rem3A_602 : i32 to index
      %swap3A_623 = arith.constant 16 : index
      %swap3A_624 = tpu.vector_load %arg10[%swap3A_622, %swap3A_623] {strides = array<i32>} : memref<128x32xf32, #tpu.memory_space<vmem>>, vector<16xf32>,
      tpu.vector_store %arg10[%swap3A_622, %swap3A_623], %gather3A_621 {strides = array<i32>} : memref<128x32xf32, #tpu.memory_space<vmem>>, vector<16xf32>,
      %mul3A_625 = arith.constant 4 : i32
      %mul3A_626 = arith.muli %scan3A_526, %mul3A_625 : i32
      %add3A_627 = arith.constant 1 : i32
      %add3A_628 = arith.addi %mul3A_626, %add3A_627 : i32
      %rem3A_629 = arith.constant 128 : i32
      %rem3A_630 = arith.remsi %add3A_628, %rem3A_629 : i32
      %slice3A_631 = vector.extract_strided_slice %get3A_532 {offsets = [1], sizes = [1], strides = [1]} : vector<16xi32> to vector<1xi32>
      %squeeze3A_632 = vector.extract %slice3A_631[0] : i32 from vector<1xi32>
      %and3A_633 = arith.constant 127 : i32
      %and3A_634 = arith.andi %squeeze3A_632, %and3A_633 : i32
      %broadcast_in_dim3A_635 = vector.broadcast %and3A_634 : i32 to vector<16xi32>
      %gather3A_636 = arith.constant 1 : i32
      %gather3A_637 = arith.constant 0 : i32
      %gather3A_638 = arith.constant 0 : i32
      %gather3A_639 = tpu.memref_slice %arg9[%rem3A_528, %gather3A_636, %gather3A_637, %gather3A_638] : memref<4x4x32x128xf32, #tpu.memory_space<vmem>> -> memref<1x1x32x128xf32, #tpu.memory_space<vmem>>
      %gather3A_640 = tpu.memref_squeeze %gather3A_639 : memref<1x1x32x128xf32, #tpu.memory_space<vmem>> -> memref<32x128xf32, #tpu.memory_space<vmem>>
      %gather3A_641 = tpu.vector_load_idx %gather3A_640[%iota3A, %broadcast_in_dim3A_635] : memref<32x128xf32, #tpu.memory_space<vmem>>[vector<16xi32>, vector<16xi32>], vector<16xf32>,
      %swap3A_642 = arith.index_cast %rem3A_630 : i32 to index
      %swap3A_643 = arith.constant 0 : index
      %swap3A_644 = tpu.vector_load %arg10[%swap3A_642, %swap3A_643] {strides = array<i32>} : memref<128x32xf32, #tpu.memory_space<vmem>>, vector<16xf32>,
      tpu.vector_store %arg10[%swap3A_642, %swap3A_643], %gather3A_641 {strides = array<i32>} : memref<128x32xf32, #tpu.memory_space<vmem>>, vector<16xf32>,
      %add3A_645 = arith.constant 16 : i32
      %add3A_646 = vector.broadcast %add3A_645 : i32 to vector<16xi32>
      %add3A_647 = arith.addi %iota3A, %add3A_646 : vector<16xi32>
      %gather3A_648 = arith.constant 1 : i32
      %gather3A_649 = arith.constant 0 : i32
      %gather3A_650 = arith.constant 0 : i32
      %gather3A_651 = tpu.memref_slice %arg9[%rem3A_528, %gather3A_648, %gather3A_649, %gather3A_650] : memref<4x4x32x128xf32, #tpu.memory_space<vmem>> -> memref<1x1x32x128xf32, #tpu.memory_space<vmem>>
      %gather3A_652 = tpu.memref_squeeze %gather3A_651 : memref<1x1x32x128xf32, #tpu.memory_space<vmem>> -> memref<32x128xf32, #tpu.memory_space<vmem>>
      %gather3A_653 = tpu.vector_load_idx %gather3A_652[%add3A_647, %broadcast_in_dim3A_635] : memref<32x128xf32, #tpu.memory_space<vmem>>[vector<16xi32>, vector<16xi32>], vector<16xf32>,
      %swap3A_654 = arith.index_cast %rem3A_630 : i32 to index
      %swap3A_655 = arith.constant 16 : index
      %swap3A_656 = tpu.vector_load %arg10[%swap3A_654, %swap3A_655] {strides = array<i32>} : memref<128x32xf32, #tpu.memory_space<vmem>>, vector<16xf32>,
      tpu.vector_store %arg10[%swap3A_654, %swap3A_655], %gather3A_653 {strides = array<i32>} : memref<128x32xf32, #tpu.memory_space<vmem>>, vector<16xf32>,
      %mul3A_657 = arith.constant 4 : i32
      %mul3A_658 = arith.muli %scan3A_526, %mul3A_657 : i32
      %add3A_659 = arith.constant 2 : i32
      %add3A_660 = arith.addi %mul3A_658, %add3A_659 : i32
      %rem3A_661 = arith.constant 128 : i32
      %rem3A_662 = arith.remsi %add3A_660, %rem3A_661 : i32
      %slice3A_663 = vector.extract_strided_slice %get3A_532 {offsets = [2], sizes = [1], strides = [1]} : vector<16xi32> to vector<1xi32>
      %squeeze3A_664 = vector.extract %slice3A_663[0] : i32 from vector<1xi32>
      %and3A_665 = arith.constant 127 : i32
      %and3A_666 = arith.andi %squeeze3A_664, %and3A_665 : i32
      %broadcast_in_dim3A_667 = vector.broadcast %and3A_666 : i32 to vector<16xi32>
      %gather3A_668 = arith.constant 2 : i32
      %gather3A_669 = arith.constant 0 : i32
      %gather3A_670 = arith.constant 0 : i32
      %gather3A_671 = tpu.memref_slice %arg9[%rem3A_528, %gather3A_668, %gather3A_669, %gather3A_670] : memref<4x4x32x128xf32, #tpu.memory_space<vmem>> -> memref<1x1x32x128xf32, #tpu.memory_space<vmem>>
      %gather3A_672 = tpu.memref_squeeze %gather3A_671 : memref<1x1x32x128xf32, #tpu.memory_space<vmem>> -> memref<32x128xf32, #tpu.memory_space<vmem>>
      %gather3A_673 = tpu.vector_load_idx %gather3A_672[%iota3A, %broadcast_in_dim3A_667] : memref<32x128xf32, #tpu.memory_space<vmem>>[vector<16xi32>, vector<16xi32>], vector<16xf32>,
      %swap3A_674 = arith.index_cast %rem3A_662 : i32 to index
      %swap3A_675 = arith.constant 0 : index
      %swap3A_676 = tpu.vector_load %arg10[%swap3A_674, %swap3A_675] {strides = array<i32>} : memref<128x32xf32, #tpu.memory_space<vmem>>, vector<16xf32>,
      tpu.vector_store %arg10[%swap3A_674, %swap3A_675], %gather3A_673 {strides = array<i32>} : memref<128x32xf32, #tpu.memory_space<vmem>>, vector<16xf32>,
      %add3A_677 = arith.constant 16 : i32
      %add3A_678 = vector.broadcast %add3A_677 : i32 to vector<16xi32>
      %add3A_679 = arith.addi %iota3A, %add3A_678 : vector<16xi32>
      %gather3A_680 = arith.constant 2 : i32
      %gather3A_681 = arith.constant 0 : i32
      %gather3A_682 = arith.constant 0 : i32
      %gather3A_683 = tpu.memref_slice %arg9[%rem3A_528, %gather3A_680, %gather3A_681, %gather3A_682] : memref<4x4x32x128xf32, #tpu.memory_space<vmem>> -> memref<1x1x32x128xf32, #tpu.memory_space<vmem>>
      %gather3A_684 = tpu.memref_squeeze %gather3A_683 : memref<1x1x32x128xf32, #tpu.memory_space<vmem>> -> memref<32x128xf32, #tpu.memory_space<vmem>>
      %gather3A_685 = tpu.vector_load_idx %gather3A_684[%add3A_679, %broadcast_in_dim3A_667] : memref<32x128xf32, #tpu.memory_space<vmem>>[vector<16xi32>, vector<16xi32>], vector<16xf32>,
      %swap3A_686 = arith.index_cast %rem3A_662 : i32 to index
      %swap3A_687 = arith.constant 16 : index
      %swap3A_688 = tpu.vector_load %arg10[%swap3A_686, %swap3A_687] {strides = array<i32>} : memref<128x32xf32, #tpu.memory_space<vmem>>, vector<16xf32>,
      tpu.vector_store %arg10[%swap3A_686, %swap3A_687], %gather3A_685 {strides = array<i32>} : memref<128x32xf32, #tpu.memory_space<vmem>>, vector<16xf32>,
      %mul3A_689 = arith.constant 4 : i32
      %mul3A_690 = arith.muli %scan3A_526, %mul3A_689 : i32
      %add3A_691 = arith.constant 3 : i32
      %add3A_692 = arith.addi %mul3A_690, %add3A_691 : i32
      %rem3A_693 = arith.constant 128 : i32
      %rem3A_694 = arith.remsi %add3A_692, %rem3A_693 : i32
      %slice3A_695 = vector.extract_strided_slice %get3A_532 {offsets = [3], sizes = [1], strides = [1]} : vector<16xi32> to vector<1xi32>
      %squeeze3A_696 = vector.extract %slice3A_695[0] : i32 from vector<1xi32>
      %and3A_697 = arith.constant 127 : i32
      %and3A_698 = arith.andi %squeeze3A_696, %and3A_697 : i32
      %broadcast_in_dim3A_699 = vector.broadcast %and3A_698 : i32 to vector<16xi32>
      %gather3A_700 = arith.constant 3 : i32
      %gather3A_701 = arith.constant 0 : i32
      %gather3A_702 = arith.constant 0 : i32
      %gather3A_703 = tpu.memref_slice %arg9[%rem3A_528, %gather3A_700, %gather3A_701, %gather3A_702] : memref<4x4x32x128xf32, #tpu.memory_space<vmem>> -> memref<1x1x32x128xf32, #tpu.memory_space<vmem>>
      %gather3A_704 = tpu.memref_squeeze %gather3A_703 : memref<1x1x32x128xf32, #tpu.memory_space<vmem>> -> memref<32x128xf32, #tpu.memory_space<vmem>>
      %gather3A_705 = tpu.vector_load_idx %gather3A_704[%iota3A, %broadcast_in_dim3A_699] : memref<32x128xf32, #tpu.memory_space<vmem>>[vector<16xi32>, vector<16xi32>], vector<16xf32>,
      %swap3A_706 = arith.index_cast %rem3A_694 : i32 to index
      %swap3A_707 = arith.constant 0 : index
      %swap3A_708 = tpu.vector_load %arg10[%swap3A_706, %swap3A_707] {strides = array<i32>} : memref<128x32xf32, #tpu.memory_space<vmem>>, vector<16xf32>,
      tpu.vector_store %arg10[%swap3A_706, %swap3A_707], %gather3A_705 {strides = array<i32>} : memref<128x32xf32, #tpu.memory_space<vmem>>, vector<16xf32>,
      %add3A_709 = arith.constant 16 : i32
      %add3A_710 = vector.broadcast %add3A_709 : i32 to vector<16xi32>
      %add3A_711 = arith.addi %iota3A, %add3A_710 : vector<16xi32>
      %gather3A_712 = arith.constant 3 : i32
      %gather3A_713 = arith.constant 0 : i32
      %gather3A_714 = arith.constant 0 : i32
      %gather3A_715 = tpu.memref_slice %arg9[%rem3A_528, %gather3A_712, %gather3A_713, %gather3A_714] : memref<4x4x32x128xf32, #tpu.memory_space<vmem>> -> memref<1x1x32x128xf32, #tpu.memory_space<vmem>>
      %gather3A_716 = tpu.memref_squeeze %gather3A_715 : memref<1x1x32x128xf32, #tpu.memory_space<vmem>> -> memref<32x128xf32, #tpu.memory_space<vmem>>
      %gather3A_717 = tpu.vector_load_idx %gather3A_716[%add3A_711, %broadcast_in_dim3A_699] : memref<32x128xf32, #tpu.memory_space<vmem>>[vector<16xi32>, vector<16xi32>], vector<16xf32>,
      %swap3A_718 = arith.index_cast %rem3A_694 : i32 to index
      %swap3A_719 = arith.constant 16 : index
      %swap3A_720 = tpu.vector_load %arg10[%swap3A_718, %swap3A_719] {strides = array<i32>} : memref<128x32xf32, #tpu.memory_space<vmem>>, vector<16xf32>,
      tpu.vector_store %arg10[%swap3A_718, %swap3A_719], %gather3A_717 {strides = array<i32>} : memref<128x32xf32, #tpu.memory_space<vmem>>, vector<16xf32>,
      %rem3A_721 = arith.constant 32 : i32
      %rem3A_722 = arith.remsi %scan3A_526, %rem3A_721 : i32
      %eq3A = arith.constant 31 : i32
      %eq3A_723 = arith.cmpi eq, %rem3A_722, %eq3A : i32
      %convert_element_type3A_724 = arith.extui %eq3A_723 : i1 to i32
      %cond3A_725 = arith.constant 0 : i32
      %cond3A_726 = arith.cmpi ne, %convert_element_type3A_724, %cond3A_725 : i32
      scf.if %cond3A_726 {
        %div3A = arith.constant 32 : i32
        %div3A_728 = arith.divsi %scan3A_526, %div3A : i32
        %mul3A_729 = arith.constant 128 : i32
        %mul3A_730 = arith.muli %div3A_728, %mul3A_729 : i32
        %add3A_731 = arith.addi %mul3A_2, %mul3A_730 : i32
        "tpu.region"() ({
          %run_scoped3A = tpu.sem_alloc : memref<!tpu.dma_semaphore, #tpu.memory_space<semaphore_mem>>
          %dma_start3A_732 = arith.constant 0 : i32
          %dma_start3A_733 = tpu.memref_slice %arg6[%add3A_731, %dma_start3A_732] : memref<16384x32xf32, #tpu.memory_space<hbm>> -> memref<128x32xf32, #tpu.memory_space<hbm>>
          %dma_start3A_734 = arith.constant 0 : i32
          %dma_start3A_735 = tpu.memref_slice %arg6[%add3A_731, %dma_start3A_734] : memref<16384x32xf32, #tpu.memory_space<hbm>> -> memref<128x32xf32, #tpu.memory_space<hbm>>
          tpu.enqueue_dma source(%arg10 : memref<128x32xf32, #tpu.memory_space<vmem>>) target(%dma_start3A_735 : memref<128x32xf32, #tpu.memory_space<hbm>>) target_semaphore(%run_scoped3A : memref<!tpu.dma_semaphore, #tpu.memory_space<semaphore_mem>>)
          %dma_wait3A_736 = arith.constant 0 : i32
          %dma_wait3A_737 = tpu.memref_slice %arg6[%add3A_731, %dma_wait3A_736] : memref<16384x32xf32, #tpu.memory_space<hbm>> -> memref<128x32xf32, #tpu.memory_space<hbm>>
          %dma_wait3A_738 = arith.constant 0 : i32
          %dma_wait3A_739 = tpu.memref_slice %arg6[%add3A_731, %dma_wait3A_738] : memref<16384x32xf32, #tpu.memory_space<hbm>> -> memref<128x32xf32, #tpu.memory_space<hbm>>
          tpu.wait_dma2 semaphore(%run_scoped3A : memref<!tpu.dma_semaphore, #tpu.memory_space<semaphore_mem>>) src(%arg10 : memref<128x32xf32, #tpu.memory_space<vmem>>) dst(%dma_wait3A_739 : memref<128x32xf32, #tpu.memory_space<hbm>>)
          tpu.yield
        }) : () -> ()
      } else {
      }
      %scan3A_727 = arith.constant 0 : i32
      scf.yield %scan3A_727 : i32
    }
    %scan3A_260 = arith.constant 128 : i32
    "tpu.region"() ({
      %run_scoped3A = tpu.sem_alloc : memref<!tpu.dma_semaphore, #tpu.memory_space<semaphore_mem>>
      %dma_start3A_526 = arith.constant 0 : i32
      %dma_start3A_527 = tpu.memref_slice %arg8[%dma_start3A_526] : memref<544xi32, #tpu.memory_space<vmem>> -> memref<512xi32, #tpu.memory_space<vmem>>
      %dma_start3A_528 = arith.constant 0 : i32
      %dma_start3A_529 = tpu.memref_slice %arg3[%add3A, %dma_start3A_528] : memref<32x512xi32, #tpu.memory_space<hbm>> -> memref<1x512xi32, #tpu.memory_space<hbm>>
      %dma_start3A_530 = tpu.memref_squeeze %dma_start3A_529 : memref<1x512xi32, #tpu.memory_space<hbm>> -> memref<512xi32, #tpu.memory_space<hbm>>
      %dma_start3A_531 = arith.constant 0 : i32
      %dma_start3A_532 = tpu.memref_slice %arg8[%dma_start3A_531] : memref<544xi32, #tpu.memory_space<vmem>> -> memref<512xi32, #tpu.memory_space<vmem>>
      %dma_start3A_533 = arith.constant 0 : i32
      %dma_start3A_534 = tpu.memref_slice %arg3[%add3A, %dma_start3A_533] : memref<32x512xi32, #tpu.memory_space<hbm>> -> memref<1x512xi32, #tpu.memory_space<hbm>>
      %dma_start3A_535 = tpu.memref_squeeze %dma_start3A_534 : memref<1x512xi32, #tpu.memory_space<hbm>> -> memref<512xi32, #tpu.memory_space<hbm>>
      tpu.enqueue_dma source(%dma_start3A_535 : memref<512xi32, #tpu.memory_space<hbm>>) target(%dma_start3A_532 : memref<512xi32, #tpu.memory_space<vmem>>) target_semaphore(%run_scoped3A : memref<!tpu.dma_semaphore, #tpu.memory_space<semaphore_mem>>)
      %dma_wait3A = arith.constant 0 : i32
      %dma_wait3A_536 = tpu.memref_slice %arg8[%dma_wait3A] : memref<544xi32, #tpu.memory_space<vmem>> -> memref<512xi32, #tpu.memory_space<vmem>>
      %dma_wait3A_537 = arith.constant 0 : i32
      %dma_wait3A_538 = tpu.memref_slice %arg3[%add3A, %dma_wait3A_537] : memref<32x512xi32, #tpu.memory_space<hbm>> -> memref<1x512xi32, #tpu.memory_space<hbm>>
      %dma_wait3A_539 = tpu.memref_squeeze %dma_wait3A_538 : memref<1x512xi32, #tpu.memory_space<hbm>> -> memref<512xi32, #tpu.memory_space<hbm>>
      %dma_wait3A_540 = arith.constant 0 : i32
      %dma_wait3A_541 = tpu.memref_slice %arg8[%dma_wait3A_540] : memref<544xi32, #tpu.memory_space<vmem>> -> memref<512xi32, #tpu.memory_space<vmem>>
      %dma_wait3A_542 = arith.constant 0 : i32
      %dma_wait3A_543 = tpu.memref_slice %arg3[%add3A, %dma_wait3A_542] : memref<32x512xi32, #tpu.memory_space<hbm>> -> memref<1x512xi32, #tpu.memory_space<hbm>>
      %dma_wait3A_544 = tpu.memref_squeeze %dma_wait3A_543 : memref<1x512xi32, #tpu.memory_space<hbm>> -> memref<512xi32, #tpu.memory_space<hbm>>
      tpu.wait_dma2 semaphore(%run_scoped3A : memref<!tpu.dma_semaphore, #tpu.memory_space<semaphore_mem>>) src(%dma_wait3A_544 : memref<512xi32, #tpu.memory_space<hbm>>) dst(%dma_wait3A_541 : memref<512xi32, #tpu.memory_space<vmem>>)
      tpu.yield
    }) : () -> ()
    %get3A_261 = arith.constant 0 : index
    %get3A_262 = tpu.vector_load %arg8[%get3A_261] {strides = array<i32>} : memref<544xi32, #tpu.memory_space<vmem>>, vector<16xi32>,
    %slice3A_263 = vector.extract_strided_slice %get3A_262 {offsets = [0], sizes = [1], strides = [1]} : vector<16xi32> to vector<1xi32>
    %squeeze3A_264 = vector.extract %slice3A_263[0] : i32 from vector<1xi32>
    %shift_right_logical3A_265 = arith.constant 7 : i32
    %shift_right_logical3A_266 = arith.shrui %squeeze3A_264, %shift_right_logical3A_265 : i32
    %mul3A_267 = arith.constant 128 : i32
    %mul3A_268 = arith.muli %shift_right_logical3A_266, %mul3A_267 : i32
    %multiple_of3A_269 = tpu.assume_multiple %mul3A_268, 128 : i32
    %dma_start3A_270 = arith.constant 0 : i32
    %dma_start3A_271 = arith.constant 0 : i32
    %dma_start3A_272 = arith.constant 0 : i32
    %dma_start3A_273 = arith.constant 0 : i32
    %dma_start3A_274 = tpu.memref_slice %arg9[%dma_start3A_270, %dma_start3A_271, %dma_start3A_272, %dma_start3A_273] : memref<4x4x32x128xf32, #tpu.memory_space<vmem>> -> memref<1x1x32x128xf32, #tpu.memory_space<vmem>>
    %dma_start3A_275 = tpu.memref_squeeze %dma_start3A_274 : memref<1x1x32x128xf32, #tpu.memory_space<vmem>> -> memref<32x128xf32, #tpu.memory_space<vmem>>
    %dma_start3A_276 = arith.constant 0 : i32
    %dma_start3A_277 = tpu.memref_slice %arg5[%dma_start3A_276, %multiple_of3A_269] : memref<32x1000001xf32, #tpu.memory_space<hbm>> -> memref<32x128xf32, #tpu.memory_space<hbm>>
    %dma_start3A_278 = arith.constant 0 : i32
    %dma_start3A_279 = arith.constant 0 : i32
    %dma_start3A_280 = tpu.memref_slice %arg9[%dma_start3A_270, %dma_start3A_271, %dma_start3A_278, %dma_start3A_279] : memref<4x4x32x128xf32, #tpu.memory_space<vmem>> -> memref<1x1x32x128xf32, #tpu.memory_space<vmem>>
    %dma_start3A_281 = tpu.memref_squeeze %dma_start3A_280 : memref<1x1x32x128xf32, #tpu.memory_space<vmem>> -> memref<32x128xf32, #tpu.memory_space<vmem>>
    %dma_start3A_282 = arith.constant 0 : i32
    %dma_start3A_283 = tpu.memref_slice %arg5[%dma_start3A_282, %multiple_of3A_269] : memref<32x1000001xf32, #tpu.memory_space<hbm>> -> memref<32x128xf32, #tpu.memory_space<hbm>>
    tpu.enqueue_dma source(%dma_start3A_283 : memref<32x128xf32, #tpu.memory_space<hbm>>) target(%dma_start3A_281 : memref<32x128xf32, #tpu.memory_space<vmem>>) target_semaphore(%arg11 : memref<!tpu.dma_semaphore, #tpu.memory_space<semaphore_mem>>)
    %slice3A_284 = vector.extract_strided_slice %get3A_262 {offsets = [1], sizes = [1], strides = [1]} : vector<16xi32> to vector<1xi32>
    %squeeze3A_285 = vector.extract %slice3A_284[0] : i32 from vector<1xi32>
    %shift_right_logical3A_286 = arith.constant 7 : i32
    %shift_right_logical3A_287 = arith.shrui %squeeze3A_285, %shift_right_logical3A_286 : i32
    %mul3A_288 = arith.constant 128 : i32
    %mul3A_289 = arith.muli %shift_right_logical3A_287, %mul3A_288 : i32
    %multiple_of3A_290 = tpu.assume_multiple %mul3A_289, 128 : i32
    %dma_start3A_291 = arith.constant 0 : i32
    %dma_start3A_292 = arith.constant 1 : i32
    %dma_start3A_293 = arith.constant 0 : i32
    %dma_start3A_294 = arith.constant 0 : i32
    %dma_start3A_295 = tpu.memref_slice %arg9[%dma_start3A_291, %dma_start3A_292, %dma_start3A_293, %dma_start3A_294] : memref<4x4x32x128xf32, #tpu.memory_space<vmem>> -> memref<1x1x32x128xf32, #tpu.memory_space<vmem>>
    %dma_start3A_296 = tpu.memref_squeeze %dma_start3A_295 : memref<1x1x32x128xf32, #tpu.memory_space<vmem>> -> memref<32x128xf32, #tpu.memory_space<vmem>>
    %dma_start3A_297 = arith.constant 0 : i32
    %dma_start3A_298 = tpu.memref_slice %arg5[%dma_start3A_297, %multiple_of3A_290] : memref<32x1000001xf32, #tpu.memory_space<hbm>> -> memref<32x128xf32, #tpu.memory_space<hbm>>
    %dma_start3A_299 = arith.constant 0 : i32
    %dma_start3A_300 = arith.constant 0 : i32
    %dma_start3A_301 = tpu.memref_slice %arg9[%dma_start3A_291, %dma_start3A_292, %dma_start3A_299, %dma_start3A_300] : memref<4x4x32x128xf32, #tpu.memory_space<vmem>> -> memref<1x1x32x128xf32, #tpu.memory_space<vmem>>
    %dma_start3A_302 = tpu.memref_squeeze %dma_start3A_301 : memref<1x1x32x128xf32, #tpu.memory_space<vmem>> -> memref<32x128xf32, #tpu.memory_space<vmem>>
    %dma_start3A_303 = arith.constant 0 : i32
    %dma_start3A_304 = tpu.memref_slice %arg5[%dma_start3A_303, %multiple_of3A_290] : memref<32x1000001xf32, #tpu.memory_space<hbm>> -> memref<32x128xf32, #tpu.memory_space<hbm>>
    tpu.enqueue_dma source(%dma_start3A_304 : memref<32x128xf32, #tpu.memory_space<hbm>>) target(%dma_start3A_302 : memref<32x128xf32, #tpu.memory_space<vmem>>) target_semaphore(%arg11 : memref<!tpu.dma_semaphore, #tpu.memory_space<semaphore_mem>>)
    %slice3A_305 = vector.extract_strided_slice %get3A_262 {offsets = [2], sizes = [1], strides = [1]} : vector<16xi32> to vector<1xi32>
    %squeeze3A_306 = vector.extract %slice3A_305[0] : i32 from vector<1xi32>
    %shift_right_logical3A_307 = arith.constant 7 : i32
    %shift_right_logical3A_308 = arith.shrui %squeeze3A_306, %shift_right_logical3A_307 : i32
    %mul3A_309 = arith.constant 128 : i32
    %mul3A_310 = arith.muli %shift_right_logical3A_308, %mul3A_309 : i32
    %multiple_of3A_311 = tpu.assume_multiple %mul3A_310, 128 : i32
    %dma_start3A_312 = arith.constant 0 : i32
    %dma_start3A_313 = arith.constant 2 : i32
    %dma_start3A_314 = arith.constant 0 : i32
    %dma_start3A_315 = arith.constant 0 : i32
    %dma_start3A_316 = tpu.memref_slice %arg9[%dma_start3A_312, %dma_start3A_313, %dma_start3A_314, %dma_start3A_315] : memref<4x4x32x128xf32, #tpu.memory_space<vmem>> -> memref<1x1x32x128xf32, #tpu.memory_space<vmem>>
    %dma_start3A_317 = tpu.memref_squeeze %dma_start3A_316 : memref<1x1x32x128xf32, #tpu.memory_space<vmem>> -> memref<32x128xf32, #tpu.memory_space<vmem>>
    %dma_start3A_318 = arith.constant 0 : i32
    %dma_start3A_319 = tpu.memref_slice %arg5[%dma_start3A_318, %multiple_of3A_311] : memref<32x1000001xf32, #tpu.memory_space<hbm>> -> memref<32x128xf32, #tpu.memory_space<hbm>>
    %dma_start3A_320 = arith.constant 0 : i32
    %dma_start3A_321 = arith.constant 0 : i32
    %dma_start3A_322 = tpu.memref_slice %arg9[%dma_start3A_312, %dma_start3A_313, %dma_start3A_320, %dma_start3A_321] : memref<4x4x32x128xf32, #tpu.memory_space<vmem>> -> memref<1x1x32x128xf32, #tpu.memory_space<vmem>>
    %dma_start3A_323 = tpu.memref_squeeze %dma_start3A_322 : memref<1x1x32x128xf32, #tpu.memory_space<vmem>> -> memref<32x128xf32, #tpu.memory_space<vmem>>
    %dma_start3A_324 = arith.constant 0 : i32
    %dma_start3A_325 = tpu.memref_slice %arg5[%dma_start3A_324, %multiple_of3A_311] : memref<32x1000001xf32, #tpu.memory_space<hbm>> -> memref<32x128xf32, #tpu.memory_space<hbm>>
    tpu.enqueue_dma source(%dma_start3A_325 : memref<32x128xf32, #tpu.memory_space<hbm>>) target(%dma_start3A_323 : memref<32x128xf32, #tpu.memory_space<vmem>>) target_semaphore(%arg11 : memref<!tpu.dma_semaphore, #tpu.memory_space<semaphore_mem>>)
    %slice3A_326 = vector.extract_strided_slice %get3A_262 {offsets = [3], sizes = [1], strides = [1]} : vector<16xi32> to vector<1xi32>
    %squeeze3A_327 = vector.extract %slice3A_326[0] : i32 from vector<1xi32>
    %shift_right_logical3A_328 = arith.constant 7 : i32
    %shift_right_logical3A_329 = arith.shrui %squeeze3A_327, %shift_right_logical3A_328 : i32
    %mul3A_330 = arith.constant 128 : i32
    %mul3A_331 = arith.muli %shift_right_logical3A_329, %mul3A_330 : i32
    %multiple_of3A_332 = tpu.assume_multiple %mul3A_331, 128 : i32
    %dma_start3A_333 = arith.constant 0 : i32
    %dma_start3A_334 = arith.constant 3 : i32
    %dma_start3A_335 = arith.constant 0 : i32
    %dma_start3A_336 = arith.constant 0 : i32
    %dma_start3A_337 = tpu.memref_slice %arg9[%dma_start3A_333, %dma_start3A_334, %dma_start3A_335, %dma_start3A_336] : memref<4x4x32x128xf32, #tpu.memory_space<vmem>> -> memref<1x1x32x128xf32, #tpu.memory_space<vmem>>
    %dma_start3A_338 = tpu.memref_squeeze %dma_start3A_337 : memref<1x1x32x128xf32, #tpu.memory_space<vmem>> -> memref<32x128xf32, #tpu.memory_space<vmem>>
    %dma_start3A_339 = arith.constant 0 : i32
    %dma_start3A_340 = tpu.memref_slice %arg5[%dma_start3A_339, %multiple_of3A_332] : memref<32x1000001xf32, #tpu.memory_space<hbm>> -> memref<32x128xf32, #tpu.memory_space<hbm>>
    %dma_start3A_341 = arith.constant 0 : i32
    %dma_start3A_342 = arith.constant 0 : i32
    %dma_start3A_343 = tpu.memref_slice %arg9[%dma_start3A_333, %dma_start3A_334, %dma_start3A_341, %dma_start3A_342] : memref<4x4x32x128xf32, #tpu.memory_space<vmem>> -> memref<1x1x32x128xf32, #tpu.memory_space<vmem>>
    %dma_start3A_344 = tpu.memref_squeeze %dma_start3A_343 : memref<1x1x32x128xf32, #tpu.memory_space<vmem>> -> memref<32x128xf32, #tpu.memory_space<vmem>>
    %dma_start3A_345 = arith.constant 0 : i32
    %dma_start3A_346 = tpu.memref_slice %arg5[%dma_start3A_345, %multiple_of3A_332] : memref<32x1000001xf32, #tpu.memory_space<hbm>> -> memref<32x128xf32, #tpu.memory_space<hbm>>
    tpu.enqueue_dma source(%dma_start3A_346 : memref<32x128xf32, #tpu.memory_space<hbm>>) target(%dma_start3A_344 : memref<32x128xf32, #tpu.memory_space<vmem>>) target_semaphore(%arg11 : memref<!tpu.dma_semaphore, #tpu.memory_space<semaphore_mem>>)
    %get3A_347 = arith.constant 4 : index
    %get3A_348 = tpu.vector_load %arg8[%get3A_347] {strides = array<i32>} : memref<544xi32, #tpu.memory_space<vmem>>, vector<16xi32>,
    %slice3A_349 = vector.extract_strided_slice %get3A_348 {offsets = [0], sizes = [1], strides = [1]} : vector<16xi32> to vector<1xi32>
    %squeeze3A_350 = vector.extract %slice3A_349[0] : i32 from vector<1xi32>
    %shift_right_logical3A_351 = arith.constant 7 : i32
    %shift_right_logical3A_352 = arith.shrui %squeeze3A_350, %shift_right_logical3A_351 : i32
    %mul3A_353 = arith.constant 128 : i32
    %mul3A_354 = arith.muli %shift_right_logical3A_352, %mul3A_353 : i32
    %multiple_of3A_355 = tpu.assume_multiple %mul3A_354, 128 : i32
    %dma_start3A_356 = arith.constant 1 : i32
    %dma_start3A_357 = arith.constant 0 : i32
    %dma_start3A_358 = arith.constant 0 : i32
    %dma_start3A_359 = arith.constant 0 : i32
    %dma_start3A_360 = tpu.memref_slice %arg9[%dma_start3A_356, %dma_start3A_357, %dma_start3A_358, %dma_start3A_359] : memref<4x4x32x128xf32, #tpu.memory_space<vmem>> -> memref<1x1x32x128xf32, #tpu.memory_space<vmem>>
    %dma_start3A_361 = tpu.memref_squeeze %dma_start3A_360 : memref<1x1x32x128xf32, #tpu.memory_space<vmem>> -> memref<32x128xf32, #tpu.memory_space<vmem>>
    %dma_start3A_362 = arith.constant 0 : i32
    %dma_start3A_363 = tpu.memref_slice %arg5[%dma_start3A_362, %multiple_of3A_355] : memref<32x1000001xf32, #tpu.memory_space<hbm>> -> memref<32x128xf32, #tpu.memory_space<hbm>>
    %dma_start3A_364 = arith.constant 0 : i32
    %dma_start3A_365 = arith.constant 0 : i32
    %dma_start3A_366 = tpu.memref_slice %arg9[%dma_start3A_356, %dma_start3A_357, %dma_start3A_364, %dma_start3A_365] : memref<4x4x32x128xf32, #tpu.memory_space<vmem>> -> memref<1x1x32x128xf32, #tpu.memory_space<vmem>>
    %dma_start3A_367 = tpu.memref_squeeze %dma_start3A_366 : memref<1x1x32x128xf32, #tpu.memory_space<vmem>> -> memref<32x128xf32, #tpu.memory_space<vmem>>
    %dma_start3A_368 = arith.constant 0 : i32
    %dma_start3A_369 = tpu.memref_slice %arg5[%dma_start3A_368, %multiple_of3A_355] : memref<32x1000001xf32, #tpu.memory_space<hbm>> -> memref<32x128xf32, #tpu.memory_space<hbm>>
    tpu.enqueue_dma source(%dma_start3A_369 : memref<32x128xf32, #tpu.memory_space<hbm>>) target(%dma_start3A_367 : memref<32x128xf32, #tpu.memory_space<vmem>>) target_semaphore(%arg11 : memref<!tpu.dma_semaphore, #tpu.memory_space<semaphore_mem>>)
    %slice3A_370 = vector.extract_strided_slice %get3A_348 {offsets = [1], sizes = [1], strides = [1]} : vector<16xi32> to vector<1xi32>
    %squeeze3A_371 = vector.extract %slice3A_370[0] : i32 from vector<1xi32>
    %shift_right_logical3A_372 = arith.constant 7 : i32
    %shift_right_logical3A_373 = arith.shrui %squeeze3A_371, %shift_right_logical3A_372 : i32
    %mul3A_374 = arith.constant 128 : i32
    %mul3A_375 = arith.muli %shift_right_logical3A_373, %mul3A_374 : i32
    %multiple_of3A_376 = tpu.assume_multiple %mul3A_375, 128 : i32
    %dma_start3A_377 = arith.constant 1 : i32
    %dma_start3A_378 = arith.constant 1 : i32
    %dma_start3A_379 = arith.constant 0 : i32
    %dma_start3A_380 = arith.constant 0 : i32
    %dma_start3A_381 = tpu.memref_slice %arg9[%dma_start3A_377, %dma_start3A_378, %dma_start3A_379, %dma_start3A_380] : memref<4x4x32x128xf32, #tpu.memory_space<vmem>> -> memref<1x1x32x128xf32, #tpu.memory_space<vmem>>
    %dma_start3A_382 = tpu.memref_squeeze %dma_start3A_381 : memref<1x1x32x128xf32, #tpu.memory_space<vmem>> -> memref<32x128xf32, #tpu.memory_space<vmem>>
    %dma_start3A_383 = arith.constant 0 : i32
    %dma_start3A_384 = tpu.memref_slice %arg5[%dma_start3A_383, %multiple_of3A_376] : memref<32x1000001xf32, #tpu.memory_space<hbm>> -> memref<32x128xf32, #tpu.memory_space<hbm>>
    %dma_start3A_385 = arith.constant 0 : i32
    %dma_start3A_386 = arith.constant 0 : i32
    %dma_start3A_387 = tpu.memref_slice %arg9[%dma_start3A_377, %dma_start3A_378, %dma_start3A_385, %dma_start3A_386] : memref<4x4x32x128xf32, #tpu.memory_space<vmem>> -> memref<1x1x32x128xf32, #tpu.memory_space<vmem>>
    %dma_start3A_388 = tpu.memref_squeeze %dma_start3A_387 : memref<1x1x32x128xf32, #tpu.memory_space<vmem>> -> memref<32x128xf32, #tpu.memory_space<vmem>>
    %dma_start3A_389 = arith.constant 0 : i32
    %dma_start3A_390 = tpu.memref_slice %arg5[%dma_start3A_389, %multiple_of3A_376] : memref<32x1000001xf32, #tpu.memory_space<hbm>> -> memref<32x128xf32, #tpu.memory_space<hbm>>
    tpu.enqueue_dma source(%dma_start3A_390 : memref<32x128xf32, #tpu.memory_space<hbm>>) target(%dma_start3A_388 : memref<32x128xf32, #tpu.memory_space<vmem>>) target_semaphore(%arg11 : memref<!tpu.dma_semaphore, #tpu.memory_space<semaphore_mem>>)
    %slice3A_391 = vector.extract_strided_slice %get3A_348 {offsets = [2], sizes = [1], strides = [1]} : vector<16xi32> to vector<1xi32>
    %squeeze3A_392 = vector.extract %slice3A_391[0] : i32 from vector<1xi32>
    %shift_right_logical3A_393 = arith.constant 7 : i32
    %shift_right_logical3A_394 = arith.shrui %squeeze3A_392, %shift_right_logical3A_393 : i32
    %mul3A_395 = arith.constant 128 : i32
    %mul3A_396 = arith.muli %shift_right_logical3A_394, %mul3A_395 : i32
    %multiple_of3A_397 = tpu.assume_multiple %mul3A_396, 128 : i32
    %dma_start3A_398 = arith.constant 1 : i32
    %dma_start3A_399 = arith.constant 2 : i32
    %dma_start3A_400 = arith.constant 0 : i32
    %dma_start3A_401 = arith.constant 0 : i32
    %dma_start3A_402 = tpu.memref_slice %arg9[%dma_start3A_398, %dma_start3A_399, %dma_start3A_400, %dma_start3A_401] : memref<4x4x32x128xf32, #tpu.memory_space<vmem>> -> memref<1x1x32x128xf32, #tpu.memory_space<vmem>>
    %dma_start3A_403 = tpu.memref_squeeze %dma_start3A_402 : memref<1x1x32x128xf32, #tpu.memory_space<vmem>> -> memref<32x128xf32, #tpu.memory_space<vmem>>
    %dma_start3A_404 = arith.constant 0 : i32
    %dma_start3A_405 = tpu.memref_slice %arg5[%dma_start3A_404, %multiple_of3A_397] : memref<32x1000001xf32, #tpu.memory_space<hbm>> -> memref<32x128xf32, #tpu.memory_space<hbm>>
    %dma_start3A_406 = arith.constant 0 : i32
    %dma_start3A_407 = arith.constant 0 : i32
    %dma_start3A_408 = tpu.memref_slice %arg9[%dma_start3A_398, %dma_start3A_399, %dma_start3A_406, %dma_start3A_407] : memref<4x4x32x128xf32, #tpu.memory_space<vmem>> -> memref<1x1x32x128xf32, #tpu.memory_space<vmem>>
    %dma_start3A_409 = tpu.memref_squeeze %dma_start3A_408 : memref<1x1x32x128xf32, #tpu.memory_space<vmem>> -> memref<32x128xf32, #tpu.memory_space<vmem>>
    %dma_start3A_410 = arith.constant 0 : i32
    %dma_start3A_411 = tpu.memref_slice %arg5[%dma_start3A_410, %multiple_of3A_397] : memref<32x1000001xf32, #tpu.memory_space<hbm>> -> memref<32x128xf32, #tpu.memory_space<hbm>>
    tpu.enqueue_dma source(%dma_start3A_411 : memref<32x128xf32, #tpu.memory_space<hbm>>) target(%dma_start3A_409 : memref<32x128xf32, #tpu.memory_space<vmem>>) target_semaphore(%arg11 : memref<!tpu.dma_semaphore, #tpu.memory_space<semaphore_mem>>)
    %slice3A_412 = vector.extract_strided_slice %get3A_348 {offsets = [3], sizes = [1], strides = [1]} : vector<16xi32> to vector<1xi32>
    %squeeze3A_413 = vector.extract %slice3A_412[0] : i32 from vector<1xi32>
    %shift_right_logical3A_414 = arith.constant 7 : i32
    %shift_right_logical3A_415 = arith.shrui %squeeze3A_413, %shift_right_logical3A_414 : i32
    %mul3A_416 = arith.constant 128 : i32
    %mul3A_417 = arith.muli %shift_right_logical3A_415, %mul3A_416 : i32
    %multiple_of3A_418 = tpu.assume_multiple %mul3A_417, 128 : i32
    %dma_start3A_419 = arith.constant 1 : i32
    %dma_start3A_420 = arith.constant 3 : i32
    %dma_start3A_421 = arith.constant 0 : i32
    %dma_start3A_422 = arith.constant 0 : i32
    %dma_start3A_423 = tpu.memref_slice %arg9[%dma_start3A_419, %dma_start3A_420, %dma_start3A_421, %dma_start3A_422] : memref<4x4x32x128xf32, #tpu.memory_space<vmem>> -> memref<1x1x32x128xf32, #tpu.memory_space<vmem>>
    %dma_start3A_424 = tpu.memref_squeeze %dma_start3A_423 : memref<1x1x32x128xf32, #tpu.memory_space<vmem>> -> memref<32x128xf32, #tpu.memory_space<vmem>>
    %dma_start3A_425 = arith.constant 0 : i32
    %dma_start3A_426 = tpu.memref_slice %arg5[%dma_start3A_425, %multiple_of3A_418] : memref<32x1000001xf32, #tpu.memory_space<hbm>> -> memref<32x128xf32, #tpu.memory_space<hbm>>
    %dma_start3A_427 = arith.constant 0 : i32
    %dma_start3A_428 = arith.constant 0 : i32
    %dma_start3A_429 = tpu.memref_slice %arg9[%dma_start3A_419, %dma_start3A_420, %dma_start3A_427, %dma_start3A_428] : memref<4x4x32x128xf32, #tpu.memory_space<vmem>> -> memref<1x1x32x128xf32, #tpu.memory_space<vmem>>
    %dma_start3A_430 = tpu.memref_squeeze %dma_start3A_429 : memref<1x1x32x128xf32, #tpu.memory_space<vmem>> -> memref<32x128xf32, #tpu.memory_space<vmem>>
    %dma_start3A_431 = arith.constant 0 : i32
    %dma_start3A_432 = tpu.memref_slice %arg5[%dma_start3A_431, %multiple_of3A_418] : memref<32x1000001xf32, #tpu.memory_space<hbm>> -> memref<32x128xf32, #tpu.memory_space<hbm>>
    tpu.enqueue_dma source(%dma_start3A_432 : memref<32x128xf32, #tpu.memory_space<hbm>>) target(%dma_start3A_430 : memref<32x128xf32, #tpu.memory_space<vmem>>) target_semaphore(%arg11 : memref<!tpu.dma_semaphore, #tpu.memory_space<semaphore_mem>>)
    %get3A_433 = arith.constant 8 : index
    %get3A_434 = tpu.vector_load %arg8[%get3A_433] {strides = array<i32>} : memref<544xi32, #tpu.memory_space<vmem>>, vector<16xi32>,
    %slice3A_435 = vector.extract_strided_slice %get3A_434 {offsets = [0], sizes = [1], strides = [1]} : vector<16xi32> to vector<1xi32>
    %squeeze3A_436 = vector.extract %slice3A_435[0] : i32 from vector<1xi32>
    %shift_right_logical3A_437 = arith.constant 7 : i32
    %shift_right_logical3A_438 = arith.shrui %squeeze3A_436, %shift_right_logical3A_437 : i32
    %mul3A_439 = arith.constant 128 : i32
    %mul3A_440 = arith.muli %shift_right_logical3A_438, %mul3A_439 : i32
    %multiple_of3A_441 = tpu.assume_multiple %mul3A_440, 128 : i32
    %dma_start3A_442 = arith.constant 2 : i32
    %dma_start3A_443 = arith.constant 0 : i32
    %dma_start3A_444 = arith.constant 0 : i32
    %dma_start3A_445 = arith.constant 0 : i32
    %dma_start3A_446 = tpu.memref_slice %arg9[%dma_start3A_442, %dma_start3A_443, %dma_start3A_444, %dma_start3A_445] : memref<4x4x32x128xf32, #tpu.memory_space<vmem>> -> memref<1x1x32x128xf32, #tpu.memory_space<vmem>>
    %dma_start3A_447 = tpu.memref_squeeze %dma_start3A_446 : memref<1x1x32x128xf32, #tpu.memory_space<vmem>> -> memref<32x128xf32, #tpu.memory_space<vmem>>
    %dma_start3A_448 = arith.constant 0 : i32
    %dma_start3A_449 = tpu.memref_slice %arg5[%dma_start3A_448, %multiple_of3A_441] : memref<32x1000001xf32, #tpu.memory_space<hbm>> -> memref<32x128xf32, #tpu.memory_space<hbm>>
    %dma_start3A_450 = arith.constant 0 : i32
    %dma_start3A_451 = arith.constant 0 : i32
    %dma_start3A_452 = tpu.memref_slice %arg9[%dma_start3A_442, %dma_start3A_443, %dma_start3A_450, %dma_start3A_451] : memref<4x4x32x128xf32, #tpu.memory_space<vmem>> -> memref<1x1x32x128xf32, #tpu.memory_space<vmem>>
    %dma_start3A_453 = tpu.memref_squeeze %dma_start3A_452 : memref<1x1x32x128xf32, #tpu.memory_space<vmem>> -> memref<32x128xf32, #tpu.memory_space<vmem>>
    %dma_start3A_454 = arith.constant 0 : i32
    %dma_start3A_455 = tpu.memref_slice %arg5[%dma_start3A_454, %multiple_of3A_441] : memref<32x1000001xf32, #tpu.memory_space<hbm>> -> memref<32x128xf32, #tpu.memory_space<hbm>>
    tpu.enqueue_dma source(%dma_start3A_455 : memref<32x128xf32, #tpu.memory_space<hbm>>) target(%dma_start3A_453 : memref<32x128xf32, #tpu.memory_space<vmem>>) target_semaphore(%arg11 : memref<!tpu.dma_semaphore, #tpu.memory_space<semaphore_mem>>)
    %slice3A_456 = vector.extract_strided_slice %get3A_434 {offsets = [1], sizes = [1], strides = [1]} : vector<16xi32> to vector<1xi32>
    %squeeze3A_457 = vector.extract %slice3A_456[0] : i32 from vector<1xi32>
    %shift_right_logical3A_458 = arith.constant 7 : i32
    %shift_right_logical3A_459 = arith.shrui %squeeze3A_457, %shift_right_logical3A_458 : i32
    %mul3A_460 = arith.constant 128 : i32
    %mul3A_461 = arith.muli %shift_right_logical3A_459, %mul3A_460 : i32
    %multiple_of3A_462 = tpu.assume_multiple %mul3A_461, 128 : i32
    %dma_start3A_463 = arith.constant 2 : i32
    %dma_start3A_464 = arith.constant 1 : i32
    %dma_start3A_465 = arith.constant 0 : i32
    %dma_start3A_466 = arith.constant 0 : i32
    %dma_start3A_467 = tpu.memref_slice %arg9[%dma_start3A_463, %dma_start3A_464, %dma_start3A_465, %dma_start3A_466] : memref<4x4x32x128xf32, #tpu.memory_space<vmem>> -> memref<1x1x32x128xf32, #tpu.memory_space<vmem>>
    %dma_start3A_468 = tpu.memref_squeeze %dma_start3A_467 : memref<1x1x32x128xf32, #tpu.memory_space<vmem>> -> memref<32x128xf32, #tpu.memory_space<vmem>>
    %dma_start3A_469 = arith.constant 0 : i32
    %dma_start3A_470 = tpu.memref_slice %arg5[%dma_start3A_469, %multiple_of3A_462] : memref<32x1000001xf32, #tpu.memory_space<hbm>> -> memref<32x128xf32, #tpu.memory_space<hbm>>
    %dma_start3A_471 = arith.constant 0 : i32
    %dma_start3A_472 = arith.constant 0 : i32
    %dma_start3A_473 = tpu.memref_slice %arg9[%dma_start3A_463, %dma_start3A_464, %dma_start3A_471, %dma_start3A_472] : memref<4x4x32x128xf32, #tpu.memory_space<vmem>> -> memref<1x1x32x128xf32, #tpu.memory_space<vmem>>
    %dma_start3A_474 = tpu.memref_squeeze %dma_start3A_473 : memref<1x1x32x128xf32, #tpu.memory_space<vmem>> -> memref<32x128xf32, #tpu.memory_space<vmem>>
    %dma_start3A_475 = arith.constant 0 : i32
    %dma_start3A_476 = tpu.memref_slice %arg5[%dma_start3A_475, %multiple_of3A_462] : memref<32x1000001xf32, #tpu.memory_space<hbm>> -> memref<32x128xf32, #tpu.memory_space<hbm>>
    tpu.enqueue_dma source(%dma_start3A_476 : memref<32x128xf32, #tpu.memory_space<hbm>>) target(%dma_start3A_474 : memref<32x128xf32, #tpu.memory_space<vmem>>) target_semaphore(%arg11 : memref<!tpu.dma_semaphore, #tpu.memory_space<semaphore_mem>>)
    %slice3A_477 = vector.extract_strided_slice %get3A_434 {offsets = [2], sizes = [1], strides = [1]} : vector<16xi32> to vector<1xi32>
    %squeeze3A_478 = vector.extract %slice3A_477[0] : i32 from vector<1xi32>
    %shift_right_logical3A_479 = arith.constant 7 : i32
    %shift_right_logical3A_480 = arith.shrui %squeeze3A_478, %shift_right_logical3A_479 : i32
    %mul3A_481 = arith.constant 128 : i32
    %mul3A_482 = arith.muli %shift_right_logical3A_480, %mul3A_481 : i32
    %multiple_of3A_483 = tpu.assume_multiple %mul3A_482, 128 : i32
    %dma_start3A_484 = arith.constant 2 : i32
    %dma_start3A_485 = arith.constant 2 : i32
    %dma_start3A_486 = arith.constant 0 : i32
    %dma_start3A_487 = arith.constant 0 : i32
    %dma_start3A_488 = tpu.memref_slice %arg9[%dma_start3A_484, %dma_start3A_485, %dma_start3A_486, %dma_start3A_487] : memref<4x4x32x128xf32, #tpu.memory_space<vmem>> -> memref<1x1x32x128xf32, #tpu.memory_space<vmem>>
    %dma_start3A_489 = tpu.memref_squeeze %dma_start3A_488 : memref<1x1x32x128xf32, #tpu.memory_space<vmem>> -> memref<32x128xf32, #tpu.memory_space<vmem>>
    %dma_start3A_490 = arith.constant 0 : i32
    %dma_start3A_491 = tpu.memref_slice %arg5[%dma_start3A_490, %multiple_of3A_483] : memref<32x1000001xf32, #tpu.memory_space<hbm>> -> memref<32x128xf32, #tpu.memory_space<hbm>>
    %dma_start3A_492 = arith.constant 0 : i32
    %dma_start3A_493 = arith.constant 0 : i32
    %dma_start3A_494 = tpu.memref_slice %arg9[%dma_start3A_484, %dma_start3A_485, %dma_start3A_492, %dma_start3A_493] : memref<4x4x32x128xf32, #tpu.memory_space<vmem>> -> memref<1x1x32x128xf32, #tpu.memory_space<vmem>>
    %dma_start3A_495 = tpu.memref_squeeze %dma_start3A_494 : memref<1x1x32x128xf32, #tpu.memory_space<vmem>> -> memref<32x128xf32, #tpu.memory_space<vmem>>
    %dma_start3A_496 = arith.constant 0 : i32
    %dma_start3A_497 = tpu.memref_slice %arg5[%dma_start3A_496, %multiple_of3A_483] : memref<32x1000001xf32, #tpu.memory_space<hbm>> -> memref<32x128xf32, #tpu.memory_space<hbm>>
    tpu.enqueue_dma source(%dma_start3A_497 : memref<32x128xf32, #tpu.memory_space<hbm>>) target(%dma_start3A_495 : memref<32x128xf32, #tpu.memory_space<vmem>>) target_semaphore(%arg11 : memref<!tpu.dma_semaphore, #tpu.memory_space<semaphore_mem>>)
    %slice3A_498 = vector.extract_strided_slice %get3A_434 {offsets = [3], sizes = [1], strides = [1]} : vector<16xi32> to vector<1xi32>
    %squeeze3A_499 = vector.extract %slice3A_498[0] : i32 from vector<1xi32>
    %shift_right_logical3A_500 = arith.constant 7 : i32
    %shift_right_logical3A_501 = arith.shrui %squeeze3A_499, %shift_right_logical3A_500 : i32
    %mul3A_502 = arith.constant 128 : i32
    %mul3A_503 = arith.muli %shift_right_logical3A_501, %mul3A_502 : i32
    %multiple_of3A_504 = tpu.assume_multiple %mul3A_503, 128 : i32
    %dma_start3A_505 = arith.constant 2 : i32
    %dma_start3A_506 = arith.constant 3 : i32
    %dma_start3A_507 = arith.constant 0 : i32
    %dma_start3A_508 = arith.constant 0 : i32
    %dma_start3A_509 = tpu.memref_slice %arg9[%dma_start3A_505, %dma_start3A_506, %dma_start3A_507, %dma_start3A_508] : memref<4x4x32x128xf32, #tpu.memory_space<vmem>> -> memref<1x1x32x128xf32, #tpu.memory_space<vmem>>
    %dma_start3A_510 = tpu.memref_squeeze %dma_start3A_509 : memref<1x1x32x128xf32, #tpu.memory_space<vmem>> -> memref<32x128xf32, #tpu.memory_space<vmem>>
    %dma_start3A_511 = arith.constant 0 : i32
    %dma_start3A_512 = tpu.memref_slice %arg5[%dma_start3A_511, %multiple_of3A_504] : memref<32x1000001xf32, #tpu.memory_space<hbm>> -> memref<32x128xf32, #tpu.memory_space<hbm>>
    %dma_start3A_513 = arith.constant 0 : i32
    %dma_start3A_514 = arith.constant 0 : i32
    %dma_start3A_515 = tpu.memref_slice %arg9[%dma_start3A_505, %dma_start3A_506, %dma_start3A_513, %dma_start3A_514] : memref<4x4x32x128xf32, #tpu.memory_space<vmem>> -> memref<1x1x32x128xf32, #tpu.memory_space<vmem>>
    %dma_start3A_516 = tpu.memref_squeeze %dma_start3A_515 : memref<1x1x32x128xf32, #tpu.memory_space<vmem>> -> memref<32x128xf32, #tpu.memory_space<vmem>>
    %dma_start3A_517 = arith.constant 0 : i32
    %dma_start3A_518 = tpu.memref_slice %arg5[%dma_start3A_517, %multiple_of3A_504] : memref<32x1000001xf32, #tpu.memory_space<hbm>> -> memref<32x128xf32, #tpu.memory_space<hbm>>
    tpu.enqueue_dma source(%dma_start3A_518 : memref<32x128xf32, #tpu.memory_space<hbm>>) target(%dma_start3A_516 : memref<32x128xf32, #tpu.memory_space<vmem>>) target_semaphore(%arg11 : memref<!tpu.dma_semaphore, #tpu.memory_space<semaphore_mem>>)
    %scan3A_519 = arith.constant 0 : i32
    %scan3A_520 = arith.constant 0 : i32
    %scan3A_521 = arith.constant 128 : i32
    %scan3A_522 = arith.addi %scan3A_520, %scan3A_521 : i32
    %scan3A_523 = arith.constant 1 : i32
    %scan3A_524 = scf.for %scan3A_526 = %scan3A_520 to %scan3A_522 step %scan3A_523 iter_args(%scan3A_527 = %scan3A_519) -> (i32)  : i32 {
      %rem3A = arith.constant 4 : i32
      %rem3A_528 = arith.remsi %scan3A_526, %rem3A : i32
      %mul3A_529 = arith.constant 4 : i32
      %mul3A_530 = arith.muli %scan3A_526, %mul3A_529 : i32
      %get3A_531 = arith.index_cast %mul3A_530 : i32 to index
      %get3A_532 = tpu.vector_load %arg8[%get3A_531] {strides = array<i32>} : memref<544xi32, #tpu.memory_space<vmem>>, vector<16xi32>,
      %add3A_533 = arith.constant 4 : i32
      %add3A_534 = arith.addi %scan3A_526, %add3A_533 : i32
      %sub3A = arith.constant 1 : i32
      %sub3A_535 = arith.subi %add3A_534, %sub3A : i32
      %lt3A = arith.constant 128 : i32
      %lt3A_536 = arith.cmpi slt, %sub3A_535, %lt3A : i32
      %convert_element_type3A = arith.extui %lt3A_536 : i1 to i32
      %cond3A = arith.constant 0 : i32
      %cond3A_537 = arith.cmpi ne, %convert_element_type3A, %cond3A : i32
      scf.if %cond3A_537 {
        %add3A_728 = arith.constant 4 : i32
        %add3A_729 = arith.addi %scan3A_526, %add3A_728 : i32
        %sub3A_730 = arith.constant 1 : i32
        %sub3A_731 = arith.subi %add3A_729, %sub3A_730 : i32
        %mul3A_732 = arith.constant 4 : i32
        %mul3A_733 = arith.muli %sub3A_731, %mul3A_732 : i32
        %get3A_734 = arith.index_cast %mul3A_733 : i32 to index
        %get3A_735 = tpu.vector_load %arg8[%get3A_734] {strides = array<i32>} : memref<544xi32, #tpu.memory_space<vmem>>, vector<16xi32>,
        %add3A_736 = arith.constant 4 : i32
        %add3A_737 = arith.addi %scan3A_526, %add3A_736 : i32
        %sub3A_738 = arith.constant 1 : i32
        %sub3A_739 = arith.subi %add3A_737, %sub3A_738 : i32
        %rem3A_740 = arith.constant 4 : i32
        %rem3A_741 = arith.remsi %sub3A_739, %rem3A_740 : i32
        %slice3A_742 = vector.extract_strided_slice %get3A_735 {offsets = [0], sizes = [1], strides = [1]} : vector<16xi32> to vector<1xi32>
        %squeeze3A_743 = vector.extract %slice3A_742[0] : i32 from vector<1xi32>
        %shift_right_logical3A_744 = arith.constant 7 : i32
        %shift_right_logical3A_745 = arith.shrui %squeeze3A_743, %shift_right_logical3A_744 : i32
        %mul3A_746 = arith.constant 128 : i32
        %mul3A_747 = arith.muli %shift_right_logical3A_745, %mul3A_746 : i32
        %multiple_of3A_748 = tpu.assume_multiple %mul3A_747, 128 : i32
        %dma_start3A_749 = arith.constant 0 : i32
        %dma_start3A_750 = arith.constant 0 : i32
        %dma_start3A_751 = arith.constant 0 : i32
        %dma_start3A_752 = tpu.memref_slice %arg9[%rem3A_741, %dma_start3A_749, %dma_start3A_750, %dma_start3A_751] : memref<4x4x32x128xf32, #tpu.memory_space<vmem>> -> memref<1x1x32x128xf32, #tpu.memory_space<vmem>>
        %dma_start3A_753 = tpu.memref_squeeze %dma_start3A_752 : memref<1x1x32x128xf32, #tpu.memory_space<vmem>> -> memref<32x128xf32, #tpu.memory_space<vmem>>
        %dma_start3A_754 = arith.constant 0 : i32
        %dma_start3A_755 = tpu.memref_slice %arg5[%dma_start3A_754, %multiple_of3A_748] : memref<32x1000001xf32, #tpu.memory_space<hbm>> -> memref<32x128xf32, #tpu.memory_space<hbm>>
        %dma_start3A_756 = arith.constant 0 : i32
        %dma_start3A_757 = arith.constant 0 : i32
        %dma_start3A_758 = tpu.memref_slice %arg9[%rem3A_741, %dma_start3A_749, %dma_start3A_756, %dma_start3A_757] : memref<4x4x32x128xf32, #tpu.memory_space<vmem>> -> memref<1x1x32x128xf32, #tpu.memory_space<vmem>>
        %dma_start3A_759 = tpu.memref_squeeze %dma_start3A_758 : memref<1x1x32x128xf32, #tpu.memory_space<vmem>> -> memref<32x128xf32, #tpu.memory_space<vmem>>
        %dma_start3A_760 = arith.constant 0 : i32
        %dma_start3A_761 = tpu.memref_slice %arg5[%dma_start3A_760, %multiple_of3A_748] : memref<32x1000001xf32, #tpu.memory_space<hbm>> -> memref<32x128xf32, #tpu.memory_space<hbm>>
        tpu.enqueue_dma source(%dma_start3A_761 : memref<32x128xf32, #tpu.memory_space<hbm>>) target(%dma_start3A_759 : memref<32x128xf32, #tpu.memory_space<vmem>>) target_semaphore(%arg11 : memref<!tpu.dma_semaphore, #tpu.memory_space<semaphore_mem>>)
        %slice3A_762 = vector.extract_strided_slice %get3A_735 {offsets = [1], sizes = [1], strides = [1]} : vector<16xi32> to vector<1xi32>
        %squeeze3A_763 = vector.extract %slice3A_762[0] : i32 from vector<1xi32>
        %shift_right_logical3A_764 = arith.constant 7 : i32
        %shift_right_logical3A_765 = arith.shrui %squeeze3A_763, %shift_right_logical3A_764 : i32
        %mul3A_766 = arith.constant 128 : i32
        %mul3A_767 = arith.muli %shift_right_logical3A_765, %mul3A_766 : i32
        %multiple_of3A_768 = tpu.assume_multiple %mul3A_767, 128 : i32
        %dma_start3A_769 = arith.constant 1 : i32
        %dma_start3A_770 = arith.constant 0 : i32
        %dma_start3A_771 = arith.constant 0 : i32
        %dma_start3A_772 = tpu.memref_slice %arg9[%rem3A_741, %dma_start3A_769, %dma_start3A_770, %dma_start3A_771] : memref<4x4x32x128xf32, #tpu.memory_space<vmem>> -> memref<1x1x32x128xf32, #tpu.memory_space<vmem>>
        %dma_start3A_773 = tpu.memref_squeeze %dma_start3A_772 : memref<1x1x32x128xf32, #tpu.memory_space<vmem>> -> memref<32x128xf32, #tpu.memory_space<vmem>>
        %dma_start3A_774 = arith.constant 0 : i32
        %dma_start3A_775 = tpu.memref_slice %arg5[%dma_start3A_774, %multiple_of3A_768] : memref<32x1000001xf32, #tpu.memory_space<hbm>> -> memref<32x128xf32, #tpu.memory_space<hbm>>
        %dma_start3A_776 = arith.constant 0 : i32
        %dma_start3A_777 = arith.constant 0 : i32
        %dma_start3A_778 = tpu.memref_slice %arg9[%rem3A_741, %dma_start3A_769, %dma_start3A_776, %dma_start3A_777] : memref<4x4x32x128xf32, #tpu.memory_space<vmem>> -> memref<1x1x32x128xf32, #tpu.memory_space<vmem>>
        %dma_start3A_779 = tpu.memref_squeeze %dma_start3A_778 : memref<1x1x32x128xf32, #tpu.memory_space<vmem>> -> memref<32x128xf32, #tpu.memory_space<vmem>>
        %dma_start3A_780 = arith.constant 0 : i32
        %dma_start3A_781 = tpu.memref_slice %arg5[%dma_start3A_780, %multiple_of3A_768] : memref<32x1000001xf32, #tpu.memory_space<hbm>> -> memref<32x128xf32, #tpu.memory_space<hbm>>
        tpu.enqueue_dma source(%dma_start3A_781 : memref<32x128xf32, #tpu.memory_space<hbm>>) target(%dma_start3A_779 : memref<32x128xf32, #tpu.memory_space<vmem>>) target_semaphore(%arg11 : memref<!tpu.dma_semaphore, #tpu.memory_space<semaphore_mem>>)
        %slice3A_782 = vector.extract_strided_slice %get3A_735 {offsets = [2], sizes = [1], strides = [1]} : vector<16xi32> to vector<1xi32>
        %squeeze3A_783 = vector.extract %slice3A_782[0] : i32 from vector<1xi32>
        %shift_right_logical3A_784 = arith.constant 7 : i32
        %shift_right_logical3A_785 = arith.shrui %squeeze3A_783, %shift_right_logical3A_784 : i32
        %mul3A_786 = arith.constant 128 : i32
        %mul3A_787 = arith.muli %shift_right_logical3A_785, %mul3A_786 : i32
        %multiple_of3A_788 = tpu.assume_multiple %mul3A_787, 128 : i32
        %dma_start3A_789 = arith.constant 2 : i32
        %dma_start3A_790 = arith.constant 0 : i32
        %dma_start3A_791 = arith.constant 0 : i32
        %dma_start3A_792 = tpu.memref_slice %arg9[%rem3A_741, %dma_start3A_789, %dma_start3A_790, %dma_start3A_791] : memref<4x4x32x128xf32, #tpu.memory_space<vmem>> -> memref<1x1x32x128xf32, #tpu.memory_space<vmem>>
        %dma_start3A_793 = tpu.memref_squeeze %dma_start3A_792 : memref<1x1x32x128xf32, #tpu.memory_space<vmem>> -> memref<32x128xf32, #tpu.memory_space<vmem>>
        %dma_start3A_794 = arith.constant 0 : i32
        %dma_start3A_795 = tpu.memref_slice %arg5[%dma_start3A_794, %multiple_of3A_788] : memref<32x1000001xf32, #tpu.memory_space<hbm>> -> memref<32x128xf32, #tpu.memory_space<hbm>>
        %dma_start3A_796 = arith.constant 0 : i32
        %dma_start3A_797 = arith.constant 0 : i32
        %dma_start3A_798 = tpu.memref_slice %arg9[%rem3A_741, %dma_start3A_789, %dma_start3A_796, %dma_start3A_797] : memref<4x4x32x128xf32, #tpu.memory_space<vmem>> -> memref<1x1x32x128xf32, #tpu.memory_space<vmem>>
        %dma_start3A_799 = tpu.memref_squeeze %dma_start3A_798 : memref<1x1x32x128xf32, #tpu.memory_space<vmem>> -> memref<32x128xf32, #tpu.memory_space<vmem>>
        %dma_start3A_800 = arith.constant 0 : i32
        %dma_start3A_801 = tpu.memref_slice %arg5[%dma_start3A_800, %multiple_of3A_788] : memref<32x1000001xf32, #tpu.memory_space<hbm>> -> memref<32x128xf32, #tpu.memory_space<hbm>>
        tpu.enqueue_dma source(%dma_start3A_801 : memref<32x128xf32, #tpu.memory_space<hbm>>) target(%dma_start3A_799 : memref<32x128xf32, #tpu.memory_space<vmem>>) target_semaphore(%arg11 : memref<!tpu.dma_semaphore, #tpu.memory_space<semaphore_mem>>)
        %slice3A_802 = vector.extract_strided_slice %get3A_735 {offsets = [3], sizes = [1], strides = [1]} : vector<16xi32> to vector<1xi32>
        %squeeze3A_803 = vector.extract %slice3A_802[0] : i32 from vector<1xi32>
        %shift_right_logical3A_804 = arith.constant 7 : i32
        %shift_right_logical3A_805 = arith.shrui %squeeze3A_803, %shift_right_logical3A_804 : i32
        %mul3A_806 = arith.constant 128 : i32
        %mul3A_807 = arith.muli %shift_right_logical3A_805, %mul3A_806 : i32
        %multiple_of3A_808 = tpu.assume_multiple %mul3A_807, 128 : i32
        %dma_start3A_809 = arith.constant 3 : i32
        %dma_start3A_810 = arith.constant 0 : i32
        %dma_start3A_811 = arith.constant 0 : i32
        %dma_start3A_812 = tpu.memref_slice %arg9[%rem3A_741, %dma_start3A_809, %dma_start3A_810, %dma_start3A_811] : memref<4x4x32x128xf32, #tpu.memory_space<vmem>> -> memref<1x1x32x128xf32, #tpu.memory_space<vmem>>
        %dma_start3A_813 = tpu.memref_squeeze %dma_start3A_812 : memref<1x1x32x128xf32, #tpu.memory_space<vmem>> -> memref<32x128xf32, #tpu.memory_space<vmem>>
        %dma_start3A_814 = arith.constant 0 : i32
        %dma_start3A_815 = tpu.memref_slice %arg5[%dma_start3A_814, %multiple_of3A_808] : memref<32x1000001xf32, #tpu.memory_space<hbm>> -> memref<32x128xf32, #tpu.memory_space<hbm>>
        %dma_start3A_816 = arith.constant 0 : i32
        %dma_start3A_817 = arith.constant 0 : i32
        %dma_start3A_818 = tpu.memref_slice %arg9[%rem3A_741, %dma_start3A_809, %dma_start3A_816, %dma_start3A_817] : memref<4x4x32x128xf32, #tpu.memory_space<vmem>> -> memref<1x1x32x128xf32, #tpu.memory_space<vmem>>
        %dma_start3A_819 = tpu.memref_squeeze %dma_start3A_818 : memref<1x1x32x128xf32, #tpu.memory_space<vmem>> -> memref<32x128xf32, #tpu.memory_space<vmem>>
        %dma_start3A_820 = arith.constant 0 : i32
        %dma_start3A_821 = tpu.memref_slice %arg5[%dma_start3A_820, %multiple_of3A_808] : memref<32x1000001xf32, #tpu.memory_space<hbm>> -> memref<32x128xf32, #tpu.memory_space<hbm>>
        tpu.enqueue_dma source(%dma_start3A_821 : memref<32x128xf32, #tpu.memory_space<hbm>>) target(%dma_start3A_819 : memref<32x128xf32, #tpu.memory_space<vmem>>) target_semaphore(%arg11 : memref<!tpu.dma_semaphore, #tpu.memory_space<semaphore_mem>>)
      } else {
      }
      %dma_wait3A = arith.constant 0 : i32
      %dma_wait3A_538 = arith.constant 0 : i32
      %dma_wait3A_539 = arith.constant 0 : i32
      %dma_wait3A_540 = tpu.memref_slice %arg9[%rem3A_528, %dma_wait3A, %dma_wait3A_538, %dma_wait3A_539] : memref<4x4x32x128xf32, #tpu.memory_space<vmem>> -> memref<1x1x32x128xf32, #tpu.memory_space<vmem>>
      %dma_wait3A_541 = tpu.memref_squeeze %dma_wait3A_540 : memref<1x1x32x128xf32, #tpu.memory_space<vmem>> -> memref<32x128xf32, #tpu.memory_space<vmem>>
      %dma_wait3A_542 = arith.constant 0 : i32
      %dma_wait3A_543 = arith.constant 0 : i32
      %dma_wait3A_544 = tpu.memref_slice %arg5[%dma_wait3A_542, %dma_wait3A_543] : memref<32x1000001xf32, #tpu.memory_space<hbm>> -> memref<32x128xf32, #tpu.memory_space<hbm>>
      %dma_wait3A_545 = arith.constant 0 : i32
      %dma_wait3A_546 = arith.constant 0 : i32
      %dma_wait3A_547 = tpu.memref_slice %arg9[%rem3A_528, %dma_wait3A, %dma_wait3A_545, %dma_wait3A_546] : memref<4x4x32x128xf32, #tpu.memory_space<vmem>> -> memref<1x1x32x128xf32, #tpu.memory_space<vmem>>
      %dma_wait3A_548 = tpu.memref_squeeze %dma_wait3A_547 : memref<1x1x32x128xf32, #tpu.memory_space<vmem>> -> memref<32x128xf32, #tpu.memory_space<vmem>>
      %dma_wait3A_549 = arith.constant 0 : i32
      %dma_wait3A_550 = arith.constant 0 : i32
      %dma_wait3A_551 = tpu.memref_slice %arg5[%dma_wait3A_549, %dma_wait3A_550] : memref<32x1000001xf32, #tpu.memory_space<hbm>> -> memref<32x128xf32, #tpu.memory_space<hbm>>
      tpu.wait_dma2 semaphore(%arg11 : memref<!tpu.dma_semaphore, #tpu.memory_space<semaphore_mem>>) src(%dma_wait3A_551 : memref<32x128xf32, #tpu.memory_space<hbm>>) dst(%dma_wait3A_548 : memref<32x128xf32, #tpu.memory_space<vmem>>)
      %dma_wait3A_552 = arith.constant 1 : i32
      %dma_wait3A_553 = arith.constant 0 : i32
      %dma_wait3A_554 = arith.constant 0 : i32
      %dma_wait3A_555 = tpu.memref_slice %arg9[%rem3A_528, %dma_wait3A_552, %dma_wait3A_553, %dma_wait3A_554] : memref<4x4x32x128xf32, #tpu.memory_space<vmem>> -> memref<1x1x32x128xf32, #tpu.memory_space<vmem>>
      %dma_wait3A_556 = tpu.memref_squeeze %dma_wait3A_555 : memref<1x1x32x128xf32, #tpu.memory_space<vmem>> -> memref<32x128xf32, #tpu.memory_space<vmem>>
      %dma_wait3A_557 = arith.constant 0 : i32
      %dma_wait3A_558 = arith.constant 0 : i32
      %dma_wait3A_559 = tpu.memref_slice %arg5[%dma_wait3A_557, %dma_wait3A_558] : memref<32x1000001xf32, #tpu.memory_space<hbm>> -> memref<32x128xf32, #tpu.memory_space<hbm>>
      %dma_wait3A_560 = arith.constant 0 : i32
      %dma_wait3A_561 = arith.constant 0 : i32
      %dma_wait3A_562 = tpu.memref_slice %arg9[%rem3A_528, %dma_wait3A_552, %dma_wait3A_560, %dma_wait3A_561] : memref<4x4x32x128xf32, #tpu.memory_space<vmem>> -> memref<1x1x32x128xf32, #tpu.memory_space<vmem>>
      %dma_wait3A_563 = tpu.memref_squeeze %dma_wait3A_562 : memref<1x1x32x128xf32, #tpu.memory_space<vmem>> -> memref<32x128xf32, #tpu.memory_space<vmem>>
      %dma_wait3A_564 = arith.constant 0 : i32
      %dma_wait3A_565 = arith.constant 0 : i32
      %dma_wait3A_566 = tpu.memref_slice %arg5[%dma_wait3A_564, %dma_wait3A_565] : memref<32x1000001xf32, #tpu.memory_space<hbm>> -> memref<32x128xf32, #tpu.memory_space<hbm>>
      tpu.wait_dma2 semaphore(%arg11 : memref<!tpu.dma_semaphore, #tpu.memory_space<semaphore_mem>>) src(%dma_wait3A_566 : memref<32x128xf32, #tpu.memory_space<hbm>>) dst(%dma_wait3A_563 : memref<32x128xf32, #tpu.memory_space<vmem>>)
      %dma_wait3A_567 = arith.constant 2 : i32
      %dma_wait3A_568 = arith.constant 0 : i32
      %dma_wait3A_569 = arith.constant 0 : i32
      %dma_wait3A_570 = tpu.memref_slice %arg9[%rem3A_528, %dma_wait3A_567, %dma_wait3A_568, %dma_wait3A_569] : memref<4x4x32x128xf32, #tpu.memory_space<vmem>> -> memref<1x1x32x128xf32, #tpu.memory_space<vmem>>
      %dma_wait3A_571 = tpu.memref_squeeze %dma_wait3A_570 : memref<1x1x32x128xf32, #tpu.memory_space<vmem>> -> memref<32x128xf32, #tpu.memory_space<vmem>>
      %dma_wait3A_572 = arith.constant 0 : i32
      %dma_wait3A_573 = arith.constant 0 : i32
      %dma_wait3A_574 = tpu.memref_slice %arg5[%dma_wait3A_572, %dma_wait3A_573] : memref<32x1000001xf32, #tpu.memory_space<hbm>> -> memref<32x128xf32, #tpu.memory_space<hbm>>
      %dma_wait3A_575 = arith.constant 0 : i32
      %dma_wait3A_576 = arith.constant 0 : i32
      %dma_wait3A_577 = tpu.memref_slice %arg9[%rem3A_528, %dma_wait3A_567, %dma_wait3A_575, %dma_wait3A_576] : memref<4x4x32x128xf32, #tpu.memory_space<vmem>> -> memref<1x1x32x128xf32, #tpu.memory_space<vmem>>
      %dma_wait3A_578 = tpu.memref_squeeze %dma_wait3A_577 : memref<1x1x32x128xf32, #tpu.memory_space<vmem>> -> memref<32x128xf32, #tpu.memory_space<vmem>>
      %dma_wait3A_579 = arith.constant 0 : i32
      %dma_wait3A_580 = arith.constant 0 : i32
      %dma_wait3A_581 = tpu.memref_slice %arg5[%dma_wait3A_579, %dma_wait3A_580] : memref<32x1000001xf32, #tpu.memory_space<hbm>> -> memref<32x128xf32, #tpu.memory_space<hbm>>
      tpu.wait_dma2 semaphore(%arg11 : memref<!tpu.dma_semaphore, #tpu.memory_space<semaphore_mem>>) src(%dma_wait3A_581 : memref<32x128xf32, #tpu.memory_space<hbm>>) dst(%dma_wait3A_578 : memref<32x128xf32, #tpu.memory_space<vmem>>)
      %dma_wait3A_582 = arith.constant 3 : i32
      %dma_wait3A_583 = arith.constant 0 : i32
      %dma_wait3A_584 = arith.constant 0 : i32
      %dma_wait3A_585 = tpu.memref_slice %arg9[%rem3A_528, %dma_wait3A_582, %dma_wait3A_583, %dma_wait3A_584] : memref<4x4x32x128xf32, #tpu.memory_space<vmem>> -> memref<1x1x32x128xf32, #tpu.memory_space<vmem>>
      %dma_wait3A_586 = tpu.memref_squeeze %dma_wait3A_585 : memref<1x1x32x128xf32, #tpu.memory_space<vmem>> -> memref<32x128xf32, #tpu.memory_space<vmem>>
      %dma_wait3A_587 = arith.constant 0 : i32
      %dma_wait3A_588 = arith.constant 0 : i32
      %dma_wait3A_589 = tpu.memref_slice %arg5[%dma_wait3A_587, %dma_wait3A_588] : memref<32x1000001xf32, #tpu.memory_space<hbm>> -> memref<32x128xf32, #tpu.memory_space<hbm>>
      %dma_wait3A_590 = arith.constant 0 : i32
      %dma_wait3A_591 = arith.constant 0 : i32
      %dma_wait3A_592 = tpu.memref_slice %arg9[%rem3A_528, %dma_wait3A_582, %dma_wait3A_590, %dma_wait3A_591] : memref<4x4x32x128xf32, #tpu.memory_space<vmem>> -> memref<1x1x32x128xf32, #tpu.memory_space<vmem>>
      %dma_wait3A_593 = tpu.memref_squeeze %dma_wait3A_592 : memref<1x1x32x128xf32, #tpu.memory_space<vmem>> -> memref<32x128xf32, #tpu.memory_space<vmem>>
      %dma_wait3A_594 = arith.constant 0 : i32
      %dma_wait3A_595 = arith.constant 0 : i32
      %dma_wait3A_596 = tpu.memref_slice %arg5[%dma_wait3A_594, %dma_wait3A_595] : memref<32x1000001xf32, #tpu.memory_space<hbm>> -> memref<32x128xf32, #tpu.memory_space<hbm>>
      tpu.wait_dma2 semaphore(%arg11 : memref<!tpu.dma_semaphore, #tpu.memory_space<semaphore_mem>>) src(%dma_wait3A_596 : memref<32x128xf32, #tpu.memory_space<hbm>>) dst(%dma_wait3A_593 : memref<32x128xf32, #tpu.memory_space<vmem>>)
      %mul3A_597 = arith.constant 4 : i32
      %mul3A_598 = arith.muli %scan3A_526, %mul3A_597 : i32
      %add3A_599 = arith.constant 0 : i32
      %add3A_600 = arith.addi %mul3A_598, %add3A_599 : i32
      %rem3A_601 = arith.constant 128 : i32
      %rem3A_602 = arith.remsi %add3A_600, %rem3A_601 : i32
      %slice3A_603 = vector.extract_strided_slice %get3A_532 {offsets = [0], sizes = [1], strides = [1]} : vector<16xi32> to vector<1xi32>
      %squeeze3A_604 = vector.extract %slice3A_603[0] : i32 from vector<1xi32>
      %and3A = arith.constant 127 : i32
      %and3A_605 = arith.andi %squeeze3A_604, %and3A : i32
      %broadcast_in_dim3A = vector.broadcast %and3A_605 : i32 to vector<16xi32>
      %gather3A = arith.constant 0 : i32
      %gather3A_606 = arith.constant 0 : i32
      %gather3A_607 = arith.constant 0 : i32
      %gather3A_608 = tpu.memref_slice %arg9[%rem3A_528, %gather3A, %gather3A_606, %gather3A_607] : memref<4x4x32x128xf32, #tpu.memory_space<vmem>> -> memref<1x1x32x128xf32, #tpu.memory_space<vmem>>
      %gather3A_609 = tpu.memref_squeeze %gather3A_608 : memref<1x1x32x128xf32, #tpu.memory_space<vmem>> -> memref<32x128xf32, #tpu.memory_space<vmem>>
      %gather3A_610 = tpu.vector_load_idx %gather3A_609[%iota3A, %broadcast_in_dim3A] : memref<32x128xf32, #tpu.memory_space<vmem>>[vector<16xi32>, vector<16xi32>], vector<16xf32>,
      %swap3A = arith.index_cast %rem3A_602 : i32 to index
      %swap3A_611 = arith.constant 0 : index
      %swap3A_612 = tpu.vector_load %arg10[%swap3A, %swap3A_611] {strides = array<i32>} : memref<128x32xf32, #tpu.memory_space<vmem>>, vector<16xf32>,
      tpu.vector_store %arg10[%swap3A, %swap3A_611], %gather3A_610 {strides = array<i32>} : memref<128x32xf32, #tpu.memory_space<vmem>>, vector<16xf32>,
      %add3A_613 = arith.constant 16 : i32
      %add3A_614 = vector.broadcast %add3A_613 : i32 to vector<16xi32>
      %add3A_615 = arith.addi %iota3A, %add3A_614 : vector<16xi32>
      %gather3A_616 = arith.constant 0 : i32
      %gather3A_617 = arith.constant 0 : i32
      %gather3A_618 = arith.constant 0 : i32
      %gather3A_619 = tpu.memref_slice %arg9[%rem3A_528, %gather3A_616, %gather3A_617, %gather3A_618] : memref<4x4x32x128xf32, #tpu.memory_space<vmem>> -> memref<1x1x32x128xf32, #tpu.memory_space<vmem>>
      %gather3A_620 = tpu.memref_squeeze %gather3A_619 : memref<1x1x32x128xf32, #tpu.memory_space<vmem>> -> memref<32x128xf32, #tpu.memory_space<vmem>>
      %gather3A_621 = tpu.vector_load_idx %gather3A_620[%add3A_615, %broadcast_in_dim3A] : memref<32x128xf32, #tpu.memory_space<vmem>>[vector<16xi32>, vector<16xi32>], vector<16xf32>,
      %swap3A_622 = arith.index_cast %rem3A_602 : i32 to index
      %swap3A_623 = arith.constant 16 : index
      %swap3A_624 = tpu.vector_load %arg10[%swap3A_622, %swap3A_623] {strides = array<i32>} : memref<128x32xf32, #tpu.memory_space<vmem>>, vector<16xf32>,
      tpu.vector_store %arg10[%swap3A_622, %swap3A_623], %gather3A_621 {strides = array<i32>} : memref<128x32xf32, #tpu.memory_space<vmem>>, vector<16xf32>,
      %mul3A_625 = arith.constant 4 : i32
      %mul3A_626 = arith.muli %scan3A_526, %mul3A_625 : i32
      %add3A_627 = arith.constant 1 : i32
      %add3A_628 = arith.addi %mul3A_626, %add3A_627 : i32
      %rem3A_629 = arith.constant 128 : i32
      %rem3A_630 = arith.remsi %add3A_628, %rem3A_629 : i32
      %slice3A_631 = vector.extract_strided_slice %get3A_532 {offsets = [1], sizes = [1], strides = [1]} : vector<16xi32> to vector<1xi32>
      %squeeze3A_632 = vector.extract %slice3A_631[0] : i32 from vector<1xi32>
      %and3A_633 = arith.constant 127 : i32
      %and3A_634 = arith.andi %squeeze3A_632, %and3A_633 : i32
      %broadcast_in_dim3A_635 = vector.broadcast %and3A_634 : i32 to vector<16xi32>
      %gather3A_636 = arith.constant 1 : i32
      %gather3A_637 = arith.constant 0 : i32
      %gather3A_638 = arith.constant 0 : i32
      %gather3A_639 = tpu.memref_slice %arg9[%rem3A_528, %gather3A_636, %gather3A_637, %gather3A_638] : memref<4x4x32x128xf32, #tpu.memory_space<vmem>> -> memref<1x1x32x128xf32, #tpu.memory_space<vmem>>
      %gather3A_640 = tpu.memref_squeeze %gather3A_639 : memref<1x1x32x128xf32, #tpu.memory_space<vmem>> -> memref<32x128xf32, #tpu.memory_space<vmem>>
      %gather3A_641 = tpu.vector_load_idx %gather3A_640[%iota3A, %broadcast_in_dim3A_635] : memref<32x128xf32, #tpu.memory_space<vmem>>[vector<16xi32>, vector<16xi32>], vector<16xf32>,
      %swap3A_642 = arith.index_cast %rem3A_630 : i32 to index
      %swap3A_643 = arith.constant 0 : index
      %swap3A_644 = tpu.vector_load %arg10[%swap3A_642, %swap3A_643] {strides = array<i32>} : memref<128x32xf32, #tpu.memory_space<vmem>>, vector<16xf32>,
      tpu.vector_store %arg10[%swap3A_642, %swap3A_643], %gather3A_641 {strides = array<i32>} : memref<128x32xf32, #tpu.memory_space<vmem>>, vector<16xf32>,
      %add3A_645 = arith.constant 16 : i32
      %add3A_646 = vector.broadcast %add3A_645 : i32 to vector<16xi32>
      %add3A_647 = arith.addi %iota3A, %add3A_646 : vector<16xi32>
      %gather3A_648 = arith.constant 1 : i32
      %gather3A_649 = arith.constant 0 : i32
      %gather3A_650 = arith.constant 0 : i32
      %gather3A_651 = tpu.memref_slice %arg9[%rem3A_528, %gather3A_648, %gather3A_649, %gather3A_650] : memref<4x4x32x128xf32, #tpu.memory_space<vmem>> -> memref<1x1x32x128xf32, #tpu.memory_space<vmem>>
      %gather3A_652 = tpu.memref_squeeze %gather3A_651 : memref<1x1x32x128xf32, #tpu.memory_space<vmem>> -> memref<32x128xf32, #tpu.memory_space<vmem>>
      %gather3A_653 = tpu.vector_load_idx %gather3A_652[%add3A_647, %broadcast_in_dim3A_635] : memref<32x128xf32, #tpu.memory_space<vmem>>[vector<16xi32>, vector<16xi32>], vector<16xf32>,
      %swap3A_654 = arith.index_cast %rem3A_630 : i32 to index
      %swap3A_655 = arith.constant 16 : index
      %swap3A_656 = tpu.vector_load %arg10[%swap3A_654, %swap3A_655] {strides = array<i32>} : memref<128x32xf32, #tpu.memory_space<vmem>>, vector<16xf32>,
      tpu.vector_store %arg10[%swap3A_654, %swap3A_655], %gather3A_653 {strides = array<i32>} : memref<128x32xf32, #tpu.memory_space<vmem>>, vector<16xf32>,
      %mul3A_657 = arith.constant 4 : i32
      %mul3A_658 = arith.muli %scan3A_526, %mul3A_657 : i32
      %add3A_659 = arith.constant 2 : i32
      %add3A_660 = arith.addi %mul3A_658, %add3A_659 : i32
      %rem3A_661 = arith.constant 128 : i32
      %rem3A_662 = arith.remsi %add3A_660, %rem3A_661 : i32
      %slice3A_663 = vector.extract_strided_slice %get3A_532 {offsets = [2], sizes = [1], strides = [1]} : vector<16xi32> to vector<1xi32>
      %squeeze3A_664 = vector.extract %slice3A_663[0] : i32 from vector<1xi32>
      %and3A_665 = arith.constant 127 : i32
      %and3A_666 = arith.andi %squeeze3A_664, %and3A_665 : i32
      %broadcast_in_dim3A_667 = vector.broadcast %and3A_666 : i32 to vector<16xi32>
      %gather3A_668 = arith.constant 2 : i32
      %gather3A_669 = arith.constant 0 : i32
      %gather3A_670 = arith.constant 0 : i32
      %gather3A_671 = tpu.memref_slice %arg9[%rem3A_528, %gather3A_668, %gather3A_669, %gather3A_670] : memref<4x4x32x128xf32, #tpu.memory_space<vmem>> -> memref<1x1x32x128xf32, #tpu.memory_space<vmem>>
      %gather3A_672 = tpu.memref_squeeze %gather3A_671 : memref<1x1x32x128xf32, #tpu.memory_space<vmem>> -> memref<32x128xf32, #tpu.memory_space<vmem>>
      %gather3A_673 = tpu.vector_load_idx %gather3A_672[%iota3A, %broadcast_in_dim3A_667] : memref<32x128xf32, #tpu.memory_space<vmem>>[vector<16xi32>, vector<16xi32>], vector<16xf32>,
      %swap3A_674 = arith.index_cast %rem3A_662 : i32 to index
      %swap3A_675 = arith.constant 0 : index
      %swap3A_676 = tpu.vector_load %arg10[%swap3A_674, %swap3A_675] {strides = array<i32>} : memref<128x32xf32, #tpu.memory_space<vmem>>, vector<16xf32>,
      tpu.vector_store %arg10[%swap3A_674, %swap3A_675], %gather3A_673 {strides = array<i32>} : memref<128x32xf32, #tpu.memory_space<vmem>>, vector<16xf32>,
      %add3A_677 = arith.constant 16 : i32
      %add3A_678 = vector.broadcast %add3A_677 : i32 to vector<16xi32>
      %add3A_679 = arith.addi %iota3A, %add3A_678 : vector<16xi32>
      %gather3A_680 = arith.constant 2 : i32
      %gather3A_681 = arith.constant 0 : i32
      %gather3A_682 = arith.constant 0 : i32
      %gather3A_683 = tpu.memref_slice %arg9[%rem3A_528, %gather3A_680, %gather3A_681, %gather3A_682] : memref<4x4x32x128xf32, #tpu.memory_space<vmem>> -> memref<1x1x32x128xf32, #tpu.memory_space<vmem>>
      %gather3A_684 = tpu.memref_squeeze %gather3A_683 : memref<1x1x32x128xf32, #tpu.memory_space<vmem>> -> memref<32x128xf32, #tpu.memory_space<vmem>>
      %gather3A_685 = tpu.vector_load_idx %gather3A_684[%add3A_679, %broadcast_in_dim3A_667] : memref<32x128xf32, #tpu.memory_space<vmem>>[vector<16xi32>, vector<16xi32>], vector<16xf32>,
      %swap3A_686 = arith.index_cast %rem3A_662 : i32 to index
      %swap3A_687 = arith.constant 16 : index
      %swap3A_688 = tpu.vector_load %arg10[%swap3A_686, %swap3A_687] {strides = array<i32>} : memref<128x32xf32, #tpu.memory_space<vmem>>, vector<16xf32>,
      tpu.vector_store %arg10[%swap3A_686, %swap3A_687], %gather3A_685 {strides = array<i32>} : memref<128x32xf32, #tpu.memory_space<vmem>>, vector<16xf32>,
      %mul3A_689 = arith.constant 4 : i32
      %mul3A_690 = arith.muli %scan3A_526, %mul3A_689 : i32
      %add3A_691 = arith.constant 3 : i32
      %add3A_692 = arith.addi %mul3A_690, %add3A_691 : i32
      %rem3A_693 = arith.constant 128 : i32
      %rem3A_694 = arith.remsi %add3A_692, %rem3A_693 : i32
      %slice3A_695 = vector.extract_strided_slice %get3A_532 {offsets = [3], sizes = [1], strides = [1]} : vector<16xi32> to vector<1xi32>
      %squeeze3A_696 = vector.extract %slice3A_695[0] : i32 from vector<1xi32>
      %and3A_697 = arith.constant 127 : i32
      %and3A_698 = arith.andi %squeeze3A_696, %and3A_697 : i32
      %broadcast_in_dim3A_699 = vector.broadcast %and3A_698 : i32 to vector<16xi32>
      %gather3A_700 = arith.constant 3 : i32
      %gather3A_701 = arith.constant 0 : i32
      %gather3A_702 = arith.constant 0 : i32
      %gather3A_703 = tpu.memref_slice %arg9[%rem3A_528, %gather3A_700, %gather3A_701, %gather3A_702] : memref<4x4x32x128xf32, #tpu.memory_space<vmem>> -> memref<1x1x32x128xf32, #tpu.memory_space<vmem>>
      %gather3A_704 = tpu.memref_squeeze %gather3A_703 : memref<1x1x32x128xf32, #tpu.memory_space<vmem>> -> memref<32x128xf32, #tpu.memory_space<vmem>>
      %gather3A_705 = tpu.vector_load_idx %gather3A_704[%iota3A, %broadcast_in_dim3A_699] : memref<32x128xf32, #tpu.memory_space<vmem>>[vector<16xi32>, vector<16xi32>], vector<16xf32>,
      %swap3A_706 = arith.index_cast %rem3A_694 : i32 to index
      %swap3A_707 = arith.constant 0 : index
      %swap3A_708 = tpu.vector_load %arg10[%swap3A_706, %swap3A_707] {strides = array<i32>} : memref<128x32xf32, #tpu.memory_space<vmem>>, vector<16xf32>,
      tpu.vector_store %arg10[%swap3A_706, %swap3A_707], %gather3A_705 {strides = array<i32>} : memref<128x32xf32, #tpu.memory_space<vmem>>, vector<16xf32>,
      %add3A_709 = arith.constant 16 : i32
      %add3A_710 = vector.broadcast %add3A_709 : i32 to vector<16xi32>
      %add3A_711 = arith.addi %iota3A, %add3A_710 : vector<16xi32>
      %gather3A_712 = arith.constant 3 : i32
      %gather3A_713 = arith.constant 0 : i32
      %gather3A_714 = arith.constant 0 : i32
      %gather3A_715 = tpu.memref_slice %arg9[%rem3A_528, %gather3A_712, %gather3A_713, %gather3A_714] : memref<4x4x32x128xf32, #tpu.memory_space<vmem>> -> memref<1x1x32x128xf32, #tpu.memory_space<vmem>>
      %gather3A_716 = tpu.memref_squeeze %gather3A_715 : memref<1x1x32x128xf32, #tpu.memory_space<vmem>> -> memref<32x128xf32, #tpu.memory_space<vmem>>
      %gather3A_717 = tpu.vector_load_idx %gather3A_716[%add3A_711, %broadcast_in_dim3A_699] : memref<32x128xf32, #tpu.memory_space<vmem>>[vector<16xi32>, vector<16xi32>], vector<16xf32>,
      %swap3A_718 = arith.index_cast %rem3A_694 : i32 to index
      %swap3A_719 = arith.constant 16 : index
      %swap3A_720 = tpu.vector_load %arg10[%swap3A_718, %swap3A_719] {strides = array<i32>} : memref<128x32xf32, #tpu.memory_space<vmem>>, vector<16xf32>,
      tpu.vector_store %arg10[%swap3A_718, %swap3A_719], %gather3A_717 {strides = array<i32>} : memref<128x32xf32, #tpu.memory_space<vmem>>, vector<16xf32>,
      %rem3A_721 = arith.constant 32 : i32
      %rem3A_722 = arith.remsi %scan3A_526, %rem3A_721 : i32
      %eq3A = arith.constant 31 : i32
      %eq3A_723 = arith.cmpi eq, %rem3A_722, %eq3A : i32
      %convert_element_type3A_724 = arith.extui %eq3A_723 : i1 to i32
      %cond3A_725 = arith.constant 0 : i32
      %cond3A_726 = arith.cmpi ne, %convert_element_type3A_724, %cond3A_725 : i32
      scf.if %cond3A_726 {
        %div3A = arith.constant 32 : i32
        %div3A_728 = arith.divsi %scan3A_526, %div3A : i32
        %mul3A_729 = arith.constant 128 : i32
        %mul3A_730 = arith.muli %div3A_728, %mul3A_729 : i32
        %add3A_731 = arith.addi %mul3A_2, %mul3A_730 : i32
        "tpu.region"() ({
          %run_scoped3A = tpu.sem_alloc : memref<!tpu.dma_semaphore, #tpu.memory_space<semaphore_mem>>
          %dma_start3A_732 = arith.constant 0 : i32
          %dma_start3A_733 = tpu.memref_slice %arg7[%add3A_731, %dma_start3A_732] : memref<16384x32xf32, #tpu.memory_space<hbm>> -> memref<128x32xf32, #tpu.memory_space<hbm>>
          %dma_start3A_734 = arith.constant 0 : i32
          %dma_start3A_735 = tpu.memref_slice %arg7[%add3A_731, %dma_start3A_734] : memref<16384x32xf32, #tpu.memory_space<hbm>> -> memref<128x32xf32, #tpu.memory_space<hbm>>
          tpu.enqueue_dma source(%arg10 : memref<128x32xf32, #tpu.memory_space<vmem>>) target(%dma_start3A_735 : memref<128x32xf32, #tpu.memory_space<hbm>>) target_semaphore(%run_scoped3A : memref<!tpu.dma_semaphore, #tpu.memory_space<semaphore_mem>>)
          %dma_wait3A_736 = arith.constant 0 : i32
          %dma_wait3A_737 = tpu.memref_slice %arg7[%add3A_731, %dma_wait3A_736] : memref<16384x32xf32, #tpu.memory_space<hbm>> -> memref<128x32xf32, #tpu.memory_space<hbm>>
          %dma_wait3A_738 = arith.constant 0 : i32
          %dma_wait3A_739 = tpu.memref_slice %arg7[%add3A_731, %dma_wait3A_738] : memref<16384x32xf32, #tpu.memory_space<hbm>> -> memref<128x32xf32, #tpu.memory_space<hbm>>
          tpu.wait_dma2 semaphore(%run_scoped3A : memref<!tpu.dma_semaphore, #tpu.memory_space<semaphore_mem>>) src(%arg10 : memref<128x32xf32, #tpu.memory_space<vmem>>) dst(%dma_wait3A_739 : memref<128x32xf32, #tpu.memory_space<hbm>>)
          tpu.yield
        }) : () -> ()
      } else {
      }
      %scan3A_727 = arith.constant 0 : i32
      scf.yield %scan3A_727 : i32
    }
    %scan3A_525 = arith.constant 128 : i32
    return
  }
}

module attributes {stable_mosaic.version = 14 : i64} {
  func.func @_mlp_body(%arg0: i32, %arg1: memref<2048x32xf32, #tpu.memory_space<vmem>>, %arg2: memref<2048x32xf32, #tpu.memory_space<vmem>>, %arg3: memref<32x256xf32, #tpu.memory_space<vmem>>, %arg4: memref<32x256xf32, #tpu.memory_space<vmem>>, %arg5: memref<1x256xf32, #tpu.memory_space<vmem>>, %arg6: memref<256x64xf32, #tpu.memory_space<vmem>>, %arg7: memref<1x64xf32, #tpu.memory_space<vmem>>, %arg8: memref<64x1xf32, #tpu.memory_space<vmem>>, %arg9: memref<1x1xf32, #tpu.memory_space<vmem>>, %arg10: memref<2048x1xf32, #tpu.memory_space<vmem>>) attributes {dimension_semantics = [#tpu.dimension_semantics<arbitrary>], iteration_bounds = array<i64: 8>, scalar_prefetch = 0 : i64, scratch_operands = 0 : i64, tpu.core_type = #tpu.core_type<tc>, window_params = [{transform_indices = @transform_0, window_bounds = array<i64: 2048, 32>}, {transform_indices = @transform_1, window_bounds = array<i64: 2048, 32>}, {pipeline_mode = #tpu.pipeline_mode<synchronous>, transform_indices = @transform_2, window_bounds = array<i64: 32, 256>}, {pipeline_mode = #tpu.pipeline_mode<synchronous>, transform_indices = @transform_3, window_bounds = array<i64: 32, 256>}, {pipeline_mode = #tpu.pipeline_mode<synchronous>, transform_indices = @transform_4, window_bounds = array<i64: 1, 256>}, {pipeline_mode = #tpu.pipeline_mode<synchronous>, transform_indices = @transform_5, window_bounds = array<i64: 256, 64>}, {pipeline_mode = #tpu.pipeline_mode<synchronous>, transform_indices = @transform_6, window_bounds = array<i64: 1, 64>}, {pipeline_mode = #tpu.pipeline_mode<synchronous>, transform_indices = @transform_7, window_bounds = array<i64: 64, 1>}, {pipeline_mode = #tpu.pipeline_mode<synchronous>, transform_indices = @transform_8, window_bounds = array<i64: 1, 1>}, {transform_indices = @transform_9, window_bounds = array<i64: 2048, 1>}]} {
    %get3A = arith.constant 0 : index
    %get3A_0 = arith.constant 0 : index
    %get3A_1 = vector.load %arg1[%get3A, %get3A_0] : memref<2048x32xf32, #tpu.memory_space<vmem>>, vector<2048x32xf32>
    %get3A_2 = arith.constant 0 : index
    %get3A_3 = arith.constant 0 : index
    %get3A_4 = vector.load %arg3[%get3A_2, %get3A_3] : memref<32x256xf32, #tpu.memory_space<vmem>>, vector<32x256xf32>
    %dot_general3A = arith.constant dense<0.000000e+00> : vector<2048x256xf32>
    %dot_general3A_5 = tpu.matmul %get3A_1, %get3A_4, %dot_general3A {dimension_numbers = #tpu.dot_dimension_numbers<[1], [0], [0], [1], [0, 0, 1, 1], [], []>, transpose_lhs_hint = false} : vector<2048x32xf32>, vector<32x256xf32>, vector<2048x256xf32> -> vector<2048x256xf32>
    %get3A_6 = arith.constant 0 : index
    %get3A_7 = arith.constant 0 : index
    %get3A_8 = vector.load %arg2[%get3A_6, %get3A_7] : memref<2048x32xf32, #tpu.memory_space<vmem>>, vector<2048x32xf32>
    %get3A_9 = arith.constant 0 : index
    %get3A_10 = arith.constant 0 : index
    %get3A_11 = vector.load %arg4[%get3A_9, %get3A_10] : memref<32x256xf32, #tpu.memory_space<vmem>>, vector<32x256xf32>
    %dot_general3A_12 = arith.constant dense<0.000000e+00> : vector<2048x256xf32>
    %dot_general3A_13 = tpu.matmul %get3A_8, %get3A_11, %dot_general3A_12 {dimension_numbers = #tpu.dot_dimension_numbers<[1], [0], [0], [1], [0, 0, 1, 1], [], []>, transpose_lhs_hint = false} : vector<2048x32xf32>, vector<32x256xf32>, vector<2048x256xf32> -> vector<2048x256xf32>
    %add3A = arith.addf %dot_general3A_5, %dot_general3A_13 : vector<2048x256xf32>
    %get3A_14 = arith.constant 0 : index
    %get3A_15 = arith.constant 0 : index
    %get3A_16 = vector.load %arg5[%get3A_14, %get3A_15] : memref<1x256xf32, #tpu.memory_space<vmem>>, vector<1x256xf32>
    %add3A_17 = vector.broadcast %get3A_16 : vector<1x256xf32> to vector<2048x256xf32>
    %add3A_18 = arith.addf %add3A, %add3A_17 : vector<2048x256xf32>
    %max3A = arith.constant 0.000000e+00 : f32
    %max3A_19 = vector.broadcast %max3A : f32 to vector<2048x256xf32>
    %max3A_20 = arith.maximumf %add3A_18, %max3A_19 : vector<2048x256xf32>
    %get3A_21 = arith.constant 0 : index
    %get3A_22 = arith.constant 0 : index
    %get3A_23 = vector.load %arg6[%get3A_21, %get3A_22] : memref<256x64xf32, #tpu.memory_space<vmem>>, vector<256x64xf32>
    %dot_general3A_24 = arith.constant dense<0.000000e+00> : vector<2048x64xf32>
    %dot_general3A_25 = tpu.matmul %max3A_20, %get3A_23, %dot_general3A_24 {dimension_numbers = #tpu.dot_dimension_numbers<[1], [0], [0], [1], [0, 0, 1, 1], [], []>, transpose_lhs_hint = false} : vector<2048x256xf32>, vector<256x64xf32>, vector<2048x64xf32> -> vector<2048x64xf32>
    %get3A_26 = arith.constant 0 : index
    %get3A_27 = arith.constant 0 : index
    %get3A_28 = vector.load %arg7[%get3A_26, %get3A_27] : memref<1x64xf32, #tpu.memory_space<vmem>>, vector<1x64xf32>
    %add3A_29 = vector.broadcast %get3A_28 : vector<1x64xf32> to vector<2048x64xf32>
    %add3A_30 = arith.addf %dot_general3A_25, %add3A_29 : vector<2048x64xf32>
    %max3A_31 = arith.constant 0.000000e+00 : f32
    %max3A_32 = vector.broadcast %max3A_31 : f32 to vector<2048x64xf32>
    %max3A_33 = arith.maximumf %add3A_30, %max3A_32 : vector<2048x64xf32>
    %get3A_34 = arith.constant 0 : index
    %get3A_35 = arith.constant 0 : index
    %get3A_36 = vector.load %arg8[%get3A_34, %get3A_35] : memref<64x1xf32, #tpu.memory_space<vmem>>, vector<64x1xf32>
    %dot_general3A_37 = arith.constant dense<0.000000e+00> : vector<2048x1xf32>
    %dot_general3A_38 = tpu.matmul %max3A_33, %get3A_36, %dot_general3A_37 {dimension_numbers = #tpu.dot_dimension_numbers<[1], [0], [0], [1], [0, 0, 1, 1], [], []>, transpose_lhs_hint = false} : vector<2048x64xf32>, vector<64x1xf32>, vector<2048x1xf32> -> vector<2048x1xf32>
    %get3A_39 = arith.constant 0 : index
    %get3A_40 = arith.constant 0 : index
    %get3A_41 = vector.load %arg9[%get3A_39, %get3A_40] : memref<1x1xf32, #tpu.memory_space<vmem>>, vector<1x1xf32>
    %add3A_42 = vector.broadcast %get3A_41 : vector<1x1xf32> to vector<2048x1xf32>
    %add3A_43 = arith.addf %dot_general3A_38, %add3A_42 : vector<2048x1xf32>
    %swap3A = arith.constant 0 : index
    %swap3A_44 = arith.constant 0 : index
    %swap3A_45 = vector.load %arg10[%swap3A, %swap3A_44] : memref<2048x1xf32, #tpu.memory_space<vmem>>, vector<2048x1xf32>
    tpu.vector_store %arg10[%swap3A, %swap3A_44], %add3A_43 {strides = array<i32>} : memref<2048x1xf32, #tpu.memory_space<vmem>>, vector<2048x1xf32>,
    return
  }
  func.func @transform_0(%arg0: i32) -> (i32, i32) {
    %c0_i32 = arith.constant 0 : i32
    %c0_i32_0 = arith.constant 0 : i32
    return %arg0, %c0_i32 : i32, i32
  }
  func.func @transform_1(%arg0: i32) -> (i32, i32) {
    %c0_i32 = arith.constant 0 : i32
    %c0_i32_0 = arith.constant 0 : i32
    return %arg0, %c0_i32 : i32, i32
  }
  func.func @transform_2(%arg0: i32) -> (i32, i32) {
    %c0_i32 = arith.constant 0 : i32
    %c0_i32_0 = arith.constant 0 : i32
    %c0_i32_1 = arith.constant 0 : i32
    return %c0_i32, %c0_i32_0 : i32, i32
  }
  func.func @transform_3(%arg0: i32) -> (i32, i32) {
    %c0_i32 = arith.constant 0 : i32
    %c0_i32_0 = arith.constant 0 : i32
    %c0_i32_1 = arith.constant 0 : i32
    return %c0_i32, %c0_i32_0 : i32, i32
  }
  func.func @transform_4(%arg0: i32) -> (i32, i32) {
    %c0_i32 = arith.constant 0 : i32
    %c0_i32_0 = arith.constant 0 : i32
    %c0_i32_1 = arith.constant 0 : i32
    return %c0_i32, %c0_i32_0 : i32, i32
  }
  func.func @transform_5(%arg0: i32) -> (i32, i32) {
    %c0_i32 = arith.constant 0 : i32
    %c0_i32_0 = arith.constant 0 : i32
    %c0_i32_1 = arith.constant 0 : i32
    return %c0_i32, %c0_i32_0 : i32, i32
  }
  func.func @transform_6(%arg0: i32) -> (i32, i32) {
    %c0_i32 = arith.constant 0 : i32
    %c0_i32_0 = arith.constant 0 : i32
    %c0_i32_1 = arith.constant 0 : i32
    return %c0_i32, %c0_i32_0 : i32, i32
  }
  func.func @transform_7(%arg0: i32) -> (i32, i32) {
    %c0_i32 = arith.constant 0 : i32
    %c0_i32_0 = arith.constant 0 : i32
    %c0_i32_1 = arith.constant 0 : i32
    return %c0_i32, %c0_i32_0 : i32, i32
  }
  func.func @transform_8(%arg0: i32) -> (i32, i32) {
    %c0_i32 = arith.constant 0 : i32
    %c0_i32_0 = arith.constant 0 : i32
    %c0_i32_1 = arith.constant 0 : i32
    return %c0_i32, %c0_i32_0 : i32, i32
  }
  func.func @transform_9(%arg0: i32) -> (i32, i32) {
    %c0_i32 = arith.constant 0 : i32
    %c0_i32_0 = arith.constant 0 : i32
    return %arg0, %c0_i32 : i32, i32
  }
}

</mosaic_0001>

<sc_bundles>
// kernel: kernel.4.cloned.1.call-start
scs
__scs_entry_jumppad:
0x0: {  	(pc) =	sbr.rel $0x88, $3  }
0x1: {  	(tag) =	ssettag $0x0;
	lr =	simm.s32 $0x1  }
0x2: {  	[smem:$0x3F97] =	sst lr;
	_ =	strace $0xD0000000  }
0x3: {  	_ = 	snop  }
0x4: {  	_ = 	snop  }
0x5: {  	_ = 	snop  }
0x6: {  	_ = 	snop  }
0x7: {  	_ = 	snop  }
__scs_overlays_trampoline_lowered:
0x8: {  	[smem:$0x3FA6] =	sst s0  }
0x9: {  	[smem:$0x3FA7] =	sst s1  }
0xa: {  	[smem:$0x3FA8] =	sst s2  }
0xb: {  	[smem:$0x3FA9] =	sst s3  }
0xc: {  	[smem:$0x3FAA] =	sst s4  }
0xd: {  	[smem:$0x3FAB] =	sst s5  }
0xe: {  	[smem:$0x3FAC] =	sst s6  }
0xf: {  	[smem:$0x3FAD] =	sst s7  }
0x10: {  	[smem:$0x3FAE] =	sst s8  }
0x11: {  	[smem:$0x3FAF] =	sst s9;
	s0 =	simm.s32 @!p0 $0x0  }
0x12: {  	s1 =	sld [smem:$0x3F95];
	s0 =	simm.s32 @p0 $0x1  }
0x13: {  	[smem:$0x3FB0] =	sst s0;
	s0 =	simm.s32 @!p1 $0x0  }
0x14: {  	s2 =	sld [smem:$0x3F94];
	s0 =	simm.s32 @p1 $0x1  }
0x15: {  	[smem:$0x3FB1] =	sst s0;
	s0 =	simm.s32 @!p2 $0x0  }
0x16: {  	s3 =	sld [smem:$0x3FDB];
	s0 =	simm.s32 @p2 $0x1  }
0x17: {  	s4 =	simm.s32 $0x1BF5;
	[smem:$0x3FB3] =	sst s0  }
0x18: {  	s0 =	sld [smem:$0x3F96];
	_ =	swait.ge [sflag:s4], $0x0  }
0x19: {  	s7 =	sld [smem:$0x3F97]  }
0x1a: {  	s8 =	sadd.s32 $0xFFFFE003, lr  }
0x1b: {  	s9 =	sadd.s32 $0xFFFFFEF7, lr;
	s5 =	simm.s32 $0xFFFFFFFF;
	p2 =	slt.u32 s8, $0xFFFFF086  }
0x1c: {  	p1 =	slt.u32 s9, $0xF7A;
	s5 =	simm.s32 @!p2 $0x0  }
0x1d: {  	s5 =	simm.s32 @p1 $0x1;
	p0 =	seq.s32 s7, s2  }
0x1e: {  	s7 =	smul.u32 @!p0 $0xF7A, s2;
	p2 =	seq.s32 @!p0 s5, $0x0  }
0x1f: {  	s9 =	smul.u32 $0xF7A, s1;
	s8 =	simm.s32 @!p0 $0x1BF5;
	p2 =	por !p2, p0  }
0x20: {  	[sflag:s8] =	ssyncset.s32 @!p0 $0xFFFFF086;
	s6 =	sadd.s32 @!p0 s3, s7;
	s7 =	simm.s32 @!p0 $0x108  }
0x21: {  	s3 =	sadd.s32 s3, s9;
	s6 =	sadd.s32 @!p0 $0x88, s6;
	s7 =	simm.s32 @p2 $0x1082  }
0x22: {  	[simem:s7], [sflag:s8] =	dma.local @!p0 [hbm:s6], $0xF7A  }
0x23: {  	s9 =	sor.u32 $0xD0000000, s2;
	s6 =	simm.s32 $0x108;
	_ =	swait.ge @!p0 [sflag:s8], $0x0  }
0x24: {  	s3 =	sadd.s32 $0x88, s3;
	s6 =	simm.s32 @!p1 $0x1082;
	[sflag:s4] =	ssyncset.s32 $0xFFFFF086  }
0x25: {  	[simem:s6], [sflag:s4] =	dma.local [hbm:s3], $0xF7A  }
0x26: {  	[smem:$0x3F97] =	sst s1;
	(tag) =	ssettag s2;
	_ =	strace s9  }
0x27: {  	s1 =	sld [smem:$0x3FA7]  }
0x28: {  	s2 =	sld [smem:$0x3FA8]  }
0x29: {  	s4 =	sld [smem:$0x3FAA]  }
0x2a: {  	p0 =	seq.s32 s5, $0x0;
	s5 =	sld [smem:$0x3FAB]  }
0x2b: {  	s6 =	sld [smem:$0x3FAC]  }
0x2c: {  	s7 =	sld [smem:$0x3FAD]  }
0x2d: {  	s3 =	simm.s32 $0x108;
	s8 =	sld [smem:$0x3FAE]  }
0x2e: {  	s3 =	simm.s32 @!p0 $0x1082;
	s9 =	sld [smem:$0x3FAF]  }
0x2f: {  	lr =	sadd.s32 s0, s3;
	s0 =	sld [smem:$0x3FA6]  }
0x30: {  	s3 =	sld [smem:$0x3FA9]  }
0x31: {  	[smem:$0x3FB2] =	sst s10  }
0x32: {  	s10 =	sld [smem:$0x3FB0];
	_ =	sdelay $0x3  }
0x33: {  	p0 =	seq.s32 s10, $0x1;
	s10 =	sld [smem:$0x3FB2];
	_ =	sdelay $0x3  }
0x34: {  	[smem:$0x3FB2] =	sst s10  }
0x35: {  	s10 =	sld [smem:$0x3FB1];
	_ =	sdelay $0x3  }
0x36: {  	p1 =	seq.s32 s10, $0x1;
	s10 =	sld [smem:$0x3FB2];
	_ =	sdelay $0x3  }
0x37: {  	[smem:$0x3FB2] =	sst s10  }
0x38: {  	s10 =	sld [smem:$0x3FB3]  }
0x39: {  	_ = 	snop;
	(pc) =	sbr.ind lr, $3  }
0x3a: {  	_ = 	snop  }
0x3b: {  	_ = 	snop  }
0x3c: {  	p2 =	seq.s32 s10, $0x1;
	s10 =	sld [smem:$0x3FB2]  }
0x3d: {  	_ =	shalt  }
0x3e: {  	_ =	shalt  }
0x3f: {  	_ =	shalt  }
0x40: {  	_ =	shalt  }
0x41: {  	_ =	shalt  }
0x42: {  	_ =	shalt  }
0x43: {  	_ =	shalt  }
0x44: {  	_ =	shalt  }
0x45: {  	_ =	shalt  }
0x46: {  	_ =	shalt  }
0x47: {  	_ =	shalt  }
0x48: {  	_ =	shalt  }
0x49: {  	_ =	shalt  }
0x4a: {  	_ =	shalt  }
0x4b: {  	_ =	shalt  }
0x4c: {  	_ =	shalt  }
0x4d: {  	_ =	shalt  }
0x4e: {  	_ =	shalt  }
0x4f: {  	_ =	shalt  }
0x50: {  	_ =	shalt  }
0x51: {  	_ =	shalt  }
0x52: {  	_ =	shalt  }
0x53: {  	_ =	shalt  }
0x54: {  	_ =	shalt  }
0x55: {  	_ =	shalt  }
0x56: {  	_ =	shalt  }
0x57: {  	_ =	shalt  }
0x58: {  	_ =	shalt  }
0x59: {  	_ =	shalt  }
0x5a: {  	_ =	shalt  }
0x5b: {  	_ =	shalt  }
0x5c: {  	_ =	shalt  }
0x5d: {  	_ =	shalt  }
0x5e: {  	_ =	shalt  }
0x5f: {  	_ =	shalt  }
0x60: {  	_ =	shalt  }
0x61: {  	_ =	shalt  }
0x62: {  	_ =	shalt  }
0x63: {  	_ =	shalt  }
0x64: {  	_ =	shalt  }
0x65: {  	_ =	shalt  }
0x66: {  	_ =	shalt  }
0x67: {  	_ =	shalt  }
0x68: {  	_ =	shalt  }
0x69: {  	_ =	shalt  }
0x6a: {  	_ =	shalt  }
0x6b: {  	_ =	shalt  }
0x6c: {  	_ =	shalt  }
0x6d: {  	_ =	shalt  }
0x6e: {  	_ =	shalt  }
0x6f: {  	_ =	shalt  }
0x70: {  	_ =	shalt  }
0x71: {  	_ =	shalt  }
0x72: {  	_ =	shalt  }
0x73: {  	_ =	shalt  }
0x74: {  	_ =	shalt  }
0x75: {  	_ =	shalt  }
0x76: {  	_ =	shalt  }
0x77: {  	_ =	shalt  }
0x78: {  	_ =	shalt  }
0x79: {  	_ =	shalt  }
0x7a: {  	_ =	shalt  }
0x7b: {  	_ =	shalt  }
0x7c: {  	_ =	shalt  }
0x7d: {  	_ =	shalt  }
0x7e: {  	_ =	shalt  }
0x7f: {  	_ =	shalt  }
0x80: {  	_ =	shalt  }
0x81: {  	_ =	shalt  }
0x82: {  	_ =	shalt  }
0x83: {  	_ =	shalt  }
0x84: {  	_ =	shalt  }
0x85: {  	_ =	shalt  }
0x86: {  	_ =	shalt  }
0x87: {  	_ =	shalt  }
.Lfunc_end0:
.L_simem_size_0:
called_computation_lowered:
.L_overlay_start_0:
0x88: {  	s2 =	sld [smem:$0x3FD9]  }
0x89: {  	s3 =	sld [smem:$0x3FFE];
	_ =	sdelay $0x1  }
0x8a: {  	s1 =	srdreg.scid  }
0x8b: {  	s0 =	sand.u32 $0x1, s1  }
0x8c: {  	s17 =	sshll.u32 s0, $0xA;
	s2 =	sadd.s32 s3, s2  }
0x8d: {  	s2 =	sadd.s32 s2, s17  }
0x8e: {  	[smem:$0x3FBE] =	sst s2  }
0x8f: {  	_ = 	snop  }
0x90: {  	s2 =	sld [smem:$0x3FC7]  }
0x91: {  	s18 =	sld [smem:$0x3FC6]  }
0x92: {  	s4 =	sld [smem:$0x3FD0];
	(tm) =	ssettm $0x1  }
0x93: {  	s5 =	sld [smem:$0x3FFB];
	_ =	sdelay $0x3  }
0x94: {  	_ =	strace s5  }
0x95: {  	s5 =	sld [smem:$0x3FFC];
	_ =	sdelay $0x3  }
0x96: {  	_ =	strace s5  }
0x97: {  	s5 =	sld [smem:$0x3FFD];
	_ =	sdelay $0x3  }
0x98: {  	_ =	strace s5  }
0x99: {  	_ =	strace $0x8FFFFFFF  }
0x9a: {  	s19 =	sld [smem:$0x3FDB];
	_ =	sdelay $0x1  }
0x9b: {  	s6 =	simm.s32 $_scs_section_size  }
0x9c: {  	s7 =	simm.s32 $_size__tile_overlayer_lowered;
	s8 =	simm.s32 $_tile_overlayer_lowered  }
0x9d: {  	s22 =	simm.s32 $0x1BFF;
	s21 =	sshll.u32 s8, $0x1;
	s5 =	sadd.s32 s6, s19  }
0x9e: {  	s9 =	simm.s32 $0x0;
	s20 =	sshll.u32 s7, $0x1;
	s7 =	sadd.s32 s21, s5  }
0x9f: {  	[timem:s9], [sflag:s22] =	dma.local [hbm:s7], s20  }
0xa0: {  	_ =	swait.ge [sflag:s22], s20  }
0xa1: {  	s6 =	ssub.s32 $0x0, s20;
	[sflag:s22] =	ssyncset.done $0x0  }
0xa2: {  	[sflag:s22] =	ssyncadd.s32 s6;
	_ =	sdelay $0x1  }
0xa3: {  	s23 =	simm.s32 $0x1B8B  }
0xa4: {  	_ =	swait.ge [sflag:s23], $0x1  }
0xa5: {  	[sflag:s23] =	ssyncset.done $0x0  }
0xa6: {  	s25 =	simm.s32 $0x1B8E;
	s24 =	sld [smem:$0x3FFE];
	[sflag:s23] =	ssyncadd.s32 $0xFFFFFFFF  }
0xa7: {  	s26 =	simm.s32 $execute0_lowered;
	[smem:$0x3FD2] =	sst s25  }
0xa8: {  	s7 =	sshll.u32 s26, $0x1;
	_ =	strace $0x80000046;
	[dreg:$0x1] =	wrdreg $0xFFFFFFFF  }
0xa9: {  	s28 =	simm.s32 $_size_execute0_lowered;
	s5 =	sadd.s32 s5, s7;
	[dreg:$0x0] =	wrdreg $0x0  }
0xaa: {  	s7 =	sshll.u32 s28, $0x1;
	[dreg:$0x2] =	wrdreg s5  }
0xab: {  	[dreg:$0x3] =	wrdreg s7  }
0xac: {  	[dreg:$0x4] =	wrdreg $0xC0  }
0xad: {  	_ =	task [dreg:s9], $0x5FFFF  }
0xae: {  	[dreg:$0x1] =	wrdreg $0xFFFFFFFF  }
0xaf: {  	[dreg:$0x0] =	wrdreg $0x60  }
0xb0: {  	[dreg:$0x2] =	wrdreg s4  }
0xb1: {  	[dreg:$0x3] =	wrdreg s24  }
0xb2: {  	[dreg:$0x4] =	wrdreg s2  }
0xb3: {  	[dreg:$0x5] =	wrdreg s18  }
0xb4: {  	[dreg:$0x6] =	wrdreg $0x9  }
0xb5: {  	_ =	task.clear_ibuf [dreg:s9], $0x7FFFF;
	_ =	strace $0x90000046  }
0xb6: {  	s29 =	simm.s32 $0x9;
	_ =	strace $0x80000048  }
0xb7: {  	_ =	swait.ge [sflag:s29], $0x1  }
0xb8: {  	[sflag:s29] =	ssyncadd.s32 $0xFFFFFFFF  }
0xb9: {  	_ =	strace $0x90000048  }
0xba: {  	_ =	sfence  }
0xbb: {  	s30 =	sld [smem:$0x0];
	_ =	sdelay $0x2  }
0xbc: {  	s31 =	sshll.u32 s1, $0xD;
	s1 =	sshrl.u32 s1, $0x2  }
0xbd: {  	s3 =	sand.u32 $0x4000, s31;
	s1 =	sadd.s32 s1, s30  }
0xbe: {  	s0 =	sor.u32 s3, s0;
	s1 =	sshll.u32 s1, $0x11  }
0xbf: {  	s0 =	sor.u32 s1, s0  }
0xc0: {  	s0 =	sadd.s32 $0x8F2B, s0  }
0xc1: {  	[sflag:s0] =	ssyncadd.remote.s32 $0x1  }
0xc2: {  	_ =	sfence.sel $0xFFFF  }
0xc3: {  	[dreg:$0x0] =	wrdreg $0xFFFFFFFF;
	(pc) =	sbr.abs _section_cstart, $3  }
0xc4: {  	[dreg:$0x1] =	wrdreg $0xFFFFFFFF  }
0xc5: {  	_ =	task.clear_ibuf [dreg:s9], $0x2FFFF;
	_ =	strace $0x9FFFFFFF  }
0xc6: {  	(tm) =	ssettm $0x7FFFFFFF  }
0xc7: {  	_ =	shalt  }
tec
execute0_lowered:
.L_overlay_start_1:
0x0: {  	(tag) =	ssettag $0x1  }
0x1: {  	s0 =	rddreg [dreg:$0x0]  }
0x2: {  	s1 =	rddreg [dreg:$0x1]  }
0x3: {  	s2 =	rddreg [dreg:$0x2];
	s4 =	srdreg.scid  }
0x4: {  	s5 =	stileid.u32;
	s3 =	rddreg [dreg:$0x3]  }
0x5: {  	s10 =	simm.s32 $0x400;
	s11 =	simm.s32 $0x2;
	s12 =	simm.s32 $0x7A1400  }
0x6: {  	s21 =	simm.s32 $0x8280;
	s22 =	simm.s32 $0x9280;
	s23 =	simm.s32 $0xA280  }
0x7: {  	s24 =	simm.s32 $0xB280;
	s25 =	simm.s32 $0x1;
	s26 =	simm.s32 $0x0  }
0x8: {  	s6 =	sand.u32 $0x1, s4;
	s28 =	sshll.u32 s5, $0x1;
	s4 =	simm.s32 $0x0  }
0x9: {  	s29 =	sadd.s32 $0x1E00, s1;
	s30 =	sadd.s32 $0x41E00, s1;
	s7 =	sor.u32 s6, s28  }
0xa: {  	[smem:$0x7FF] =	sst s4;
	s5 =	sshll.u32 s7, $0x9;
	s7 =	sshll.u32 s7, $0x7  }
0xb: {  	s6 =	ssub.s32 $0x2, s6;
	s8 =	sand.u32 $0x3000, s5;
	s7 =	sand.u32 $0x380, s7  }
0xc: {  	v0 =	vlaneseq.u32;
	_ =	strace $0x80000047;
	[dreg:$0x5] =	wrdreg s29;
	s7 =	sor.u32 s7, s8  }
0xd: {  	v0 =	vmul.u32 $0x80, v0;
	s9 =	sshrl.u32 s6, $0x1;
	[dreg:$0x6] =	wrdreg s30;
	s7 =	sshrl.u32 s7, $0x3  }
0xe: {  	s31 =	ssub.s32 s6, s9;
	s1 =	sadd.s32 s7, s1;
	s0 =	sadd.s32 s0, s7  }
0xf: {  	v1 =	vor.u32 $0x800, v0;
	s8 =	smax.u32 s31, $0x1;
	[dreg:$0x7] =	wrdreg s0;
	s7 =	sadd.s32 $0x1600, s1  }
.LBB2_1:
0x10: {  	s0 =	rddreg [dreg:$0x7];
	s1 =	simm.s32 $0x80  }
0x11: {  	[tilespmem:s4], [sflag:$0x2] =	stream.strided.gather [hbm4b:s0+s1], $0x200, s10, s1, $0x38;
	[tilespmem:$0x14280] =	vst v63  }
0x12: {  	_ =	swait.ge [sflag:s11], $0x200  }
0x13: {  	[sflag:s11] =	ssyncset.done $0x0  }
0x14: {  	[sflag:s11] =	ssyncadd.s32 $0xFFFFFE00  }
0x15: {  	v2 =	vld [tilespmem:$0x0];
	_ =	sdelay $0x4  }
0x16: {  	(v2sf) =	vpush v2, $0x0;
	_ =	sdelay $0x1  }
0x17: {  	(v2sf) =	vpush v2, $0x1;
	_ =	sdelay $0x2  }
0x18: {  	(v2sf) =	vpush v2, $0x2;
	_ =	sdelay $0x2  }
0x19: {  	(v2sf) =	vpush v2, $0x3;
	_ =	sdelay $0x6  }
0x1a: {  	s17 =	spop (v2sf)  }
0x1b: {  	s0 =	sand.u32 $0xFFFFF80, s17  }
0x1c: {  	s18 =	simm.s32 $0x280;
	s19 =	spop (v2sf);
	s0 =	sadd.s32 s2, s0  }
0x1d: {  	[tilespmem:s18], [sflag:$0x1] =	stream.strided.gather [hbm4b:s0+s10], $0x1000, s12, s10, $0x38;
	[tilespmem:$0x14280] =	vst v63  }
0x1e: {  	s0 =	sand.u32 $0xFFFFF80, s19  }
0x1f: {  	s20 =	simm.s32 $0x1280;
	s6 =	spop (v2sf);
	s0 =	sadd.s32 s2, s0  }
0x20: {  	[tilespmem:s20], [sflag:$0x1] =	stream.strided.gather [hbm4b:s0+s10], $0x1000, s12, s10, $0x38;
	[tilespmem:$0x14280] =	vst v63  }
0x21: {  	s0 =	sand.u32 $0xFFFFF80, s6  }
0x22: {  	s9 =	simm.s32 $0x2280;
	s13 =	spop (v2sf);
	s0 =	sadd.s32 s2, s0  }
0x23: {  	[tilespmem:s9], [sflag:$0x1] =	stream.strided.gather [hbm4b:s0+s10], $0x1000, s12, s10, $0x38;
	[tilespmem:$0x14280] =	vst v63  }
0x24: {  	s0 =	sand.u32 $0xFFFFF80, s13  }
0x25: {  	s14 =	simm.s32 $0x3280;
	s0 =	sadd.s32 s2, s0  }
0x26: {  	[tilespmem:s14], [sflag:$0x1] =	stream.strided.gather [hbm4b:s0+s10], $0x1000, s12, s10, $0x38;
	[tilespmem:$0x14280] =	vst v63  }
0x27: {  	v2 =	vld [tilespmem:$0x4];
	_ =	sdelay $0x4  }
0x28: {  	(v2sf) =	vpush v2, $0x0;
	_ =	sdelay $0x1  }
0x29: {  	(v2sf) =	vpush v2, $0x1;
	_ =	sdelay $0x2  }
0x2a: {  	(v2sf) =	vpush v2, $0x2;
	_ =	sdelay $0x2  }
0x2b: {  	(v2sf) =	vpush v2, $0x3;
	_ =	sdelay $0x6  }
0x2c: {  	s15 =	spop (v2sf)  }
0x2d: {  	s0 =	sand.u32 $0xFFFFF80, s15  }
0x2e: {  	s16 =	simm.s32 $0x4280;
	s17 =	spop (v2sf);
	s0 =	sadd.s32 s2, s0  }
0x2f: {  	[tilespmem:s16], [sflag:$0x1] =	stream.strided.gather [hbm4b:s0+s10], $0x1000, s12, s10, $0x38;
	[tilespmem:$0x14280] =	vst v63  }
0x30: {  	s0 =	sand.u32 $0xFFFFF80, s17  }
0x31: {  	s18 =	simm.s32 $0x5280;
	s19 =	spop (v2sf);
	s0 =	sadd.s32 s2, s0  }
0x32: {  	[tilespmem:s18], [sflag:$0x1] =	stream.strided.gather [hbm4b:s0+s10], $0x1000, s12, s10, $0x38;
	[tilespmem:$0x14280] =	vst v63  }
0x33: {  	s0 =	sand.u32 $0xFFFFF80, s19  }
0x34: {  	s20 =	simm.s32 $0x6280;
	s6 =	spop (v2sf);
	s0 =	sadd.s32 s2, s0  }
0x35: {  	[tilespmem:s20], [sflag:$0x1] =	stream.strided.gather [hbm4b:s0+s10], $0x1000, s12, s10, $0x38;
	[tilespmem:$0x14280] =	vst v63  }
0x36: {  	s0 =	sand.u32 $0xFFFFF80, s6  }
0x37: {  	s9 =	simm.s32 $0x7280;
	s0 =	sadd.s32 s2, s0  }
0x38: {  	[tilespmem:s9], [sflag:$0x1] =	stream.strided.gather [hbm4b:s0+s10], $0x1000, s12, s10, $0x38;
	[tilespmem:$0x14280] =	vst v63  }
0x39: {  	v2 =	vld [tilespmem:$0x8];
	_ =	sdelay $0x4  }
0x3a: {  	(v2sf) =	vpush v2, $0x0;
	_ =	sdelay $0x1  }
0x3b: {  	(v2sf) =	vpush v2, $0x1;
	_ =	sdelay $0x2  }
0x3c: {  	(v2sf) =	vpush v2, $0x2;
	_ =	sdelay $0x2  }
0x3d: {  	(v2sf) =	vpush v2, $0x3;
	_ =	sdelay $0x6  }
0x3e: {  	s13 =	spop (v2sf)  }
0x3f: {  	s0 =	sand.u32 $0xFFFFF80, s13  }
0x40: {  	s14 =	spop (v2sf);
	s0 =	sadd.s32 s2, s0  }
0x41: {  	[tilespmem:s21], [sflag:$0x1] =	stream.strided.gather [hbm4b:s0+s10], $0x1000, s12, s10, $0x38;
	[tilespmem:$0x14280] =	vst v63  }
0x42: {  	s0 =	sand.u32 $0xFFFFF80, s14  }
0x43: {  	s15 =	spop (v2sf);
	s0 =	sadd.s32 s2, s0  }
0x44: {  	[tilespmem:s22], [sflag:$0x1] =	stream.strided.gather [hbm4b:s0+s10], $0x1000, s12, s10, $0x38;
	[tilespmem:$0x14280] =	vst v63  }
0x45: {  	s0 =	sand.u32 $0xFFFFF80, s15  }
0x46: {  	s16 =	spop (v2sf);
	s0 =	sadd.s32 s2, s0  }
0x47: {  	[tilespmem:s23], [sflag:$0x1] =	stream.strided.gather [hbm4b:s0+s10], $0x1000, s12, s10, $0x38;
	[tilespmem:$0x14280] =	vst v63  }
0x48: {  	s0 =	sand.u32 $0xFFFFF80, s16  }
0x49: {  	s0 =	sadd.s32 s2, s0  }
0x4a: {  	[tilespmem:s24], [sflag:$0x1] =	stream.strided.gather [hbm4b:s0+s10], $0x1000, s12, s10, $0x38;
	[tilespmem:$0x14280] =	vst v63  }
0x4b: {  	p0 =	por $0x0, $0x0;
	s0 =	simm.s32 $0xC  }
0x4c: {  	v2 =	vld @!p0 [tilespmem:s0+$0x0];
	_ =	sdelay $0x4  }
0x4d: {  	(v2sf) =	vpush @!p0 v2, $0x0;
	_ =	sdelay $0x1  }
0x4e: {  	(v2sf) =	vpush @!p0 v2, $0x1;
	_ =	sdelay $0x1  }
0x4f: {  	(v2sf) =	vpush @!p0 v2, $0x2  }
0x50: {  	(v2sf) =	vpush @!p0 v2, $0x3;
	_ =	sdelay $0x5  }
0x51: {  	v2 =	vld [tilespmem:s0+$0xFFFFFFF4];
	_ =	sdelay $0x3  }
0x52: {  	s13 =	simm.s32 @!p0 $0x7A1400;
	s0 =	simm.s32 @!p0 $0xC000;
	s9 =	spop @!p0 (v2sf)  }
0x53: {  	s14 =	simm.s32 @!p0 $0x400;
	s0 =	sand.u32 @!p0 $0xC000, s0;
	(v2sf) =	vpush v2, $0x0;
	s9 =	sand.u32 @!p0 $0xFFFFF80, s9  }
0x54: {  	s1 =	sor.u32 @!p0 $0x280, s0;
	s28 =	spop @!p0 (v2sf);
	s9 =	sadd.s32 @!p0 s2, s9  }
0x55: {  	(v2sf) =	vpush v2, $0x1;
	[tilespmem:s1], [sflag:$0x1] =	stream.strided.gather @!p0 [hbm4b:s9+s14], $0x1000, s13, s14, $0x38;
	[tilespmem:$0x14280] =	vst v63  }
0x56: {  	s1 =	sor.u32 @!p0 $0x1280, s0;
	s9 =	sand.u32 @!p0 $0xFFFFF80, s28;
	s28 =	spop @!p0 (v2sf);
	(v2sf) =	vpush v2, $0x2  }
0x57: {  	(v2sf) =	vpush v2, $0x3;
	s9 =	sadd.s32 @!p0 s2, s9;
	s28 =	sand.u32 @!p0 $0xFFFFF80, s28;
	s29 =	spop @!p0 (v2sf)  }
0x58: {  	[tilespmem:s1], [sflag:$0x1] =	stream.strided.gather @!p0 [hbm4b:s9+s14], $0x1000, s13, s14, $0x38;
	[tilespmem:$0x14280] =	vst v63  }
0x59: {  	s1 =	sor.u32 @!p0 $0x2280, s0;
	s9 =	sadd.s32 @!p0 s2, s28;
	s28 =	sand.u32 @!p0 $0xFFFFF80, s29  }
0x5a: {  	[tilespmem:s1], [sflag:$0x1] =	stream.strided.gather @!p0 [hbm4b:s9+s14], $0x1000, s13, s14, $0x38;
	[tilespmem:$0x14280] =	vst v63  }
0x5b: {  	s0 =	sor.u32 @!p0 $0x3280, s0;
	s1 =	sadd.s32 @!p0 s2, s28  }
0x5c: {  	[tilespmem:s0], [sflag:$0x1] =	stream.strided.gather @!p0 [hbm4b:s1+s14], $0x1000, s13, s14, $0x38;
	[tilespmem:$0x14280] =	vst v63  }
0x5d: {  	_ =	swait.ge [sflag:s25], $0x1000  }
0x5e: {  	[sflag:s25] =	ssyncset.done $0x0  }
0x5f: {  	[sflag:s25] =	ssyncadd.s32 $0xFFFFF000  }
0x60: {  	_ =	swait.ge [sflag:s25], $0x1000  }
0x61: {  	[sflag:s25] =	ssyncset.done $0x0  }
0x62: {  	[sflag:s25] =	ssyncadd.s32 $0xFFFFF000;
	s17 =	spop (v2sf)  }
0x63: {  	_ =	swait.ge [sflag:s25], $0x1000  }
0x64: {  	s0 =	sand.u32 $0x7F, s17;
	s18 =	spop (v2sf)  }
0x65: {  	[sflag:s25] =	ssyncset.done $0x0;
	v2 =	vor.u32 s0, v0;
	s19 =	spop (v2sf)  }
0x66: {  	[sflag:s25] =	ssyncadd.s32 $0xFFFFF000;
	s20 =	spop (v2sf)  }
0x67: {  	_ =	swait.ge [sflag:s25], $0x1000  }
0x68: {  	s6 =	sand.u32 $0xC000, s4;
	[sflag:s25] =	ssyncset.done $0x0  }
0x69: {  	s28 =	sor.u32 $0x280, s6;
	[sflag:s25] =	ssyncadd.s32 $0xFFFFF000  }
0x6a: {  	v2 =	vld.idx.msk [tilespmem:v2+s28+$0x0], $0xffff  }
0x6b: {  	v3 =	vor.u32 s0, v1;
	_ =	sdelay $0x2  }
0x6c: {  	s15 =	sand.u32 $0x3E00, s4  }
0x6d: {  	[tilespmem:s15+$0x10280] =	vst v2  }
0x6e: {  	s1 =	sand.u32 $0x7F, s18;
	v2 =	vld.idx.msk [tilespmem:v3+s28+$0x0], $0xffff  }
0x6f: {  	v3 =	vor.u32 s1, v0;
	_ =	sdelay $0x3  }
0x70: {  	s28 =	sor.u32 $0x1280, s6;
	[tilespmem:s15+$0x10290] =	vst v2  }
0x71: {  	v2 =	vld.idx.msk [tilespmem:v3+s28+$0x0], $0xffff  }
0x72: {  	v3 =	vor.u32 s1, v1;
	_ =	sdelay $0x3  }
0x73: {  	[tilespmem:s15+$0x10300] =	vst v2  }
0x74: {  	s16 =	sand.u32 $0x7F, s19;
	v2 =	vld.idx.msk [tilespmem:v3+s28+$0x0], $0xffff  }
0x75: {  	v3 =	vor.u32 s16, v0;
	_ =	sdelay $0x3  }
0x76: {  	s17 =	sor.u32 $0x2280, s6;
	[tilespmem:s15+$0x10310] =	vst v2  }
0x77: {  	v2 =	vld.idx.msk [tilespmem:v3+s17+$0x0], $0xffff  }
0x78: {  	v3 =	vor.u32 s16, v1;
	_ =	sdelay $0x3  }
0x79: {  	[tilespmem:s15+$0x10380] =	vst v2  }
0x7a: {  	s18 =	sand.u32 $0x7F, s20;
	v2 =	vld.idx.msk [tilespmem:v3+s17+$0x0], $0xffff  }
0x7b: {  	v3 =	vor.u32 s18, v0;
	_ =	sdelay $0x3  }
0x7c: {  	s19 =	sor.u32 $0x3280, s6;
	[tilespmem:s15+$0x10390] =	vst v2  }
0x7d: {  	v2 =	vld.idx.msk [tilespmem:v3+s19+$0x0], $0xffff  }
0x7e: {  	v3 =	vor.u32 s18, v1;
	_ =	sdelay $0x3  }
0x7f: {  	[tilespmem:s15+$0x10400] =	vst v2  }
0x80: {  	s20 =	sand.u32 $0x1F, s4;
	v2 =	vld.idx.msk [tilespmem:v3+s19+$0x0], $0xffff  }
0x81: {  	p2 =	sne.s32 s20, $0x1F  }
0x82: {  	s1 =	sand.u32 @!p2 $0x180, s4  }
0x83: {  	s30 =	simm.s32 $0x4000;
	s31 =	simm.s32 $0x200;
	s13 =	sor.u32 @!p2 s5, s1  }
0x84: {  	s9 =	rddreg [dreg:$0x5];
	s14 =	sshll.u32 @!p2 s13, $0x4;
	s13 =	simm.s32 @!p2 $0x2  }
0x85: {  	s0 =	sadd.s32 @!p2 s9, s14;
	s9 =	simm.s32 @!p2 $0x0;
	s14 =	simm.s32 @!p2 $0x10280;
	[tilespmem:s15+$0x10410] =	vst v2  }
0x86: {  	[hbm4b:s0+s9] =	stream.linear.scatter @!p2 [tilespmem:s14], [sflag:$0x2], $0x4000, $0x38;
	[tilespmem:$0x14280] =	vst v63  }
0x87: {  	s29 =	simm.s32 $0x1;
	s1 =	simm.s32 $0x8000;
	_ =	swait.ge @!p2 [sflag:s13], $0x4000  }
0x88: {  	s28 =	simm.s32 $0x4;
	s0 =	simm.s32 $0x10;
	[sflag:s13] =	ssyncset.done @!p2 $0x0  }
.LBB2_2:
0x89: {  	p1 =	sgt.u32 s29, $0x7C;
	[sflag:s13] =	ssyncadd.s32 @!p2 $0xFFFFC000  }
0x8a: {  	v2 =	vld @!p1 [tilespmem:s0+$0x0];
	_ =	sdelay $0x4  }
0x8b: {  	(v2sf) =	vpush @!p1 v2, $0x0  }
0x8c: {  	(v2sf) =	vpush @!p1 v2, $0x1  }
0x8d: {  	(v2sf) =	vpush @!p1 v2, $0x2;
	_ =	sdelay $0x1  }
0x8e: {  	(v2sf) =	vpush @!p1 v2, $0x3;
	_ =	sdelay $0x5  }
0x8f: {  	v2 =	vld [tilespmem:s0+$0xFFFFFFF4];
	_ =	sdelay $0x2  }
0x90: {  	s13 =	sadd.s32 @!p1 $0xC000, s30  }
0x91: {  	s17 =	simm.s32 @!p1 $0x7A1400;
	s13 =	sand.u32 @!p1 $0xC000, s13  }
0x92: {  	s19 =	simm.s32 @!p1 $0x400;
	s14 =	sor.u32 @!p1 $0x280, s13;
	s18 =	spop @!p1 (v2sf);
	(v2sf) =	vpush v2, $0x0  }
0x93: {  	s15 =	sor.u32 @!p1 $0x1280, s13;
	s18 =	sand.u32 @!p1 $0xFFFFF80, s18;
	s20 =	spop @!p1 (v2sf)  }
0x94: {  	(v2sf) =	vpush v2, $0x1;
	s18 =	sadd.s32 @!p1 s2, s18;
	s20 =	sand.u32 @!p1 $0xFFFFF80, s20;
	s6 =	spop @!p1 (v2sf)  }
0x95: {  	(v2sf) =	vpush v2, $0x2;
	[tilespmem:s14], [sflag:$0x1] =	stream.strided.gather @!p1 [hbm4b:s18+s19], $0x1000, s17, s19, $0x38;
	[tilespmem:$0x14280] =	vst v63  }
0x96: {  	(v2sf) =	vpush v2, $0x3;
	s14 =	sadd.s32 @!p1 s2, s20;
	s6 =	sand.u32 @!p1 $0xFFFFF80, s6;
	s18 =	spop @!p1 (v2sf)  }
0x97: {  	[tilespmem:s15], [sflag:$0x1] =	stream.strided.gather @!p1 [hbm4b:s14+s19], $0x1000, s17, s19, $0x38;
	[tilespmem:$0x14280] =	vst v63  }
0x98: {  	s16 =	sor.u32 @!p1 $0x2280, s13;
	s6 =	sadd.s32 @!p1 s2, s6;
	s14 =	sand.u32 @!p1 $0xFFFFF80, s18  }
0x99: {  	[tilespmem:s16], [sflag:$0x1] =	stream.strided.gather @!p1 [hbm4b:s6+s19], $0x1000, s17, s19, $0x38;
	[tilespmem:$0x14280] =	vst v63  }
0x9a: {  	s13 =	sor.u32 @!p1 $0x3280, s13;
	s6 =	sadd.s32 @!p1 s2, s14  }
0x9b: {  	[tilespmem:s13], [sflag:$0x1] =	stream.strided.gather @!p1 [hbm4b:s6+s19], $0x1000, s17, s19, $0x38;
	[tilespmem:$0x14280] =	vst v63  }
0x9c: {  	_ =	swait.ge [sflag:s25], $0x1000  }
0x9d: {  	[sflag:s25] =	ssyncset.done $0x0  }
0x9e: {  	[sflag:s25] =	ssyncadd.s32 $0xFFFFF000  }
0x9f: {  	_ =	swait.ge [sflag:s25], $0x1000  }
0xa0: {  	[sflag:s25] =	ssyncset.done $0x0  }
0xa1: {  	[sflag:s25] =	ssyncadd.s32 $0xFFFFF000;
	s14 =	spop (v2sf)  }
0xa2: {  	_ =	swait.ge [sflag:s25], $0x1000  }
0xa3: {  	s6 =	sand.u32 $0x7F, s14;
	s15 =	spop (v2sf)  }
0xa4: {  	[sflag:s25] =	ssyncset.done $0x0;
	v2 =	vor.u32 s6, v0;
	s20 =	spop (v2sf)  }
0xa5: {  	[sflag:s25] =	ssyncadd.s32 $0xFFFFF000;
	s18 =	spop (v2sf)  }
0xa6: {  	_ =	swait.ge [sflag:s25], $0x1000  }
0xa7: {  	s19 =	sand.u32 $0xC000, s30;
	[sflag:s25] =	ssyncset.done $0x0  }
0xa8: {  	s14 =	sand.u32 $0x7F, s20;
	s20 =	sor.u32 $0x280, s19;
	[sflag:s25] =	ssyncadd.s32 $0xFFFFF000  }
0xa9: {  	v2 =	vld.idx.msk [tilespmem:v2+s20+$0x0], $0xffff  }
0xaa: {  	v3 =	vor.u32 s6, v1;
	_ =	sdelay $0x1  }
0xab: {  	s9 =	smov.u32 s1  }
0xac: {  	s30 =	smov.u32 s9;
	s9 =	sand.u32 $0x3E00, s31  }
0xad: {  	[tilespmem:s9+$0x10280] =	vst v2  }
0xae: {  	s16 =	sand.u32 $0x7F, s15;
	v2 =	vld.idx.msk [tilespmem:v3+s20+$0x0], $0xffff  }
0xaf: {  	v3 =	vor.u32 s16, v0;
	_ =	sdelay $0x3  }
0xb0: {  	s17 =	sor.u32 $0x1280, s19;
	[tilespmem:s9+$0x10290] =	vst v2  }
0xb1: {  	v2 =	vld.idx.msk [tilespmem:v3+s17+$0x0], $0xffff  }
0xb2: {  	v3 =	vor.u32 s16, v1;
	_ =	sdelay $0x3  }
0xb3: {  	[tilespmem:s9+$0x10300] =	vst v2  }
0xb4: {  	v2 =	vld.idx.msk [tilespmem:v3+s17+$0x0], $0xffff  }
0xb5: {  	v3 =	vor.u32 s14, v0;
	_ =	sdelay $0x3  }
0xb6: {  	s13 =	sand.u32 $0x7F, s18;
	s18 =	sor.u32 $0x2280, s19;
	[tilespmem:s9+$0x10310] =	vst v2  }
0xb7: {  	v2 =	vld.idx.msk [tilespmem:v3+s18+$0x0], $0xffff  }
0xb8: {  	v3 =	vor.u32 s14, v1;
	_ =	sdelay $0x3  }
0xb9: {  	[tilespmem:s9+$0x10380] =	vst v2  }
0xba: {  	v2 =	vld.idx.msk [tilespmem:v3+s18+$0x0], $0xffff  }
0xbb: {  	v3 =	vor.u32 s13, v0;
	_ =	sdelay $0x3  }
0xbc: {  	s19 =	sor.u32 $0x3280, s19;
	[tilespmem:s9+$0x10390] =	vst v2  }
0xbd: {  	v2 =	vld.idx.msk [tilespmem:v3+s19+$0x0], $0xffff  }
0xbe: {  	v3 =	vor.u32 s13, v1;
	_ =	sdelay $0x3  }
0xbf: {  	s20 =	sand.u32 $0x1F, s29;
	[tilespmem:s9+$0x10400] =	vst v2  }
0xc0: {  	p2 =	sne.s32 s20, $0x1F;
	v2 =	vld.idx.msk [tilespmem:v3+s19+$0x0], $0xffff  }
0xc1: {  	s6 =	sand.u32 @!p2 $0x180, s28  }
0xc2: {  	s1 =	sadd.s32 $0x4000, s1;
	s6 =	sor.u32 @!p2 s5, s6  }
0xc3: {  	p0 =	sne.s32 s1, $0x200000;
	s6 =	sshll.u32 @!p2 s6, $0x4;
	s14 =	rddreg [dreg:$0x5]  }
.Ltmp0:
0xc4: {  	s6 =	sadd.s32 @!p2 s14, s6;
	(pc) =	sbr.rel @p0 .LBB2_2-.Ltmp0, $4  }
0xc5: {  	s14 =	simm.s32 @!p2 $0x10280;
	s13 =	simm.s32 @!p2 $0x2;
	[tilespmem:s9+$0x10410] =	vst v2;
	s9 =	simm.s32 @!p2 $0x0  }
0xc6: {  	[hbm4b:s6+s9] =	stream.linear.scatter @!p2 [tilespmem:s14], [sflag:$0x2], $0x4000, $0x38;
	[tilespmem:$0x14280] =	vst v63  }
0xc7: {  	s0 =	sadd.s32 $0x4, s0;
	s31 =	sadd.s32 $0x200, s31;
	_ =	swait.ge @!p2 [sflag:s13], $0x4000  }
0xc8: {  	s29 =	sadd.s32 $0x1, s29;
	s28 =	sadd.s32 $0x4, s28;
	[sflag:s13] =	ssyncset.done @!p2 $0x0  }
0xc9: {  	p0 =	sgt.u32 s29, $0x7C;
	[sflag:s13] =	ssyncadd.s32 @!p2 $0xFFFFC000  }
0xca: {  	v2 =	vld @!p0 [tilespmem:s0+$0x0];
	_ =	sdelay $0x4  }
0xcb: {  	(v2sf) =	vpush @!p0 v2, $0x0;
	_ =	sdelay $0x3  }
0xcc: {  	(v2sf) =	vpush @!p0 v2, $0x1;
	_ =	sdelay $0x3  }
0xcd: {  	(v2sf) =	vpush @!p0 v2, $0x2;
	_ =	sdelay $0x3  }
0xce: {  	(v2sf) =	vpush @!p0 v2, $0x3;
	_ =	sdelay $0x2  }
0xcf: {  	s1 =	sadd.s32 @!p0 $0xC000, s30;
	s6 =	spop @!p0 (v2sf)  }
0xd0: {  	s13 =	simm.s32 @!p0 $0x400;
	s1 =	sand.u32 @!p0 $0xC000, s1;
	v2 =	vld [tilespmem:s0+$0xFFFFFFF4];
	s0 =	sand.u32 @!p0 $0xFFFFF80, s6  }
0xd1: {  	s9 =	sor.u32 @!p0 $0x280, s1;
	s6 =	simm.s32 @!p0 $0x7A1400;
	s0 =	sadd.s32 @!p0 s2, s0  }
0xd2: {  	[tilespmem:s9], [sflag:$0x1] =	stream.strided.gather @!p0 [hbm4b:s0+s13], $0x1000, s6, s13, $0x38;
	[tilespmem:$0x14280] =	vst v63  }
0xd3: {  	s0 =	spop @!p0 (v2sf)  }
0xd4: {  	s0 =	sand.u32 @!p0 $0xFFFFF80, s0  }
0xd5: {  	(v2sf) =	vpush v2, $0x0;
	s9 =	sor.u32 @!p0 $0x1280, s1;
	s0 =	sadd.s32 @!p0 s2, s0  }
0xd6: {  	[tilespmem:s9], [sflag:$0x1] =	stream.strided.gather @!p0 [hbm4b:s0+s13], $0x1000, s6, s13, $0x38;
	[tilespmem:$0x14280] =	vst v63  }
0xd7: {  	(v2sf) =	vpush v2, $0x1;
	s0 =	spop @!p0 (v2sf)  }
0xd8: {  	(v2sf) =	vpush v2, $0x2;
	s0 =	sand.u32 @!p0 $0xFFFFF80, s0  }
0xd9: {  	s9 =	sor.u32 @!p0 $0x2280, s1;
	(v2sf) =	vpush v2, $0x3;
	s0 =	sadd.s32 @!p0 s2, s0  }
0xda: {  	[tilespmem:s9], [sflag:$0x1] =	stream.strided.gather @!p0 [hbm4b:s0+s13], $0x1000, s6, s13, $0x38;
	[tilespmem:$0x14280] =	vst v63  }
0xdb: {  	s0 =	spop @!p0 (v2sf)  }
0xdc: {  	s0 =	sand.u32 @!p0 $0xFFFFF80, s0  }
0xdd: {  	s1 =	sor.u32 @!p0 $0x3280, s1;
	s0 =	sadd.s32 @!p0 s2, s0  }
0xde: {  	[tilespmem:s1], [sflag:$0x1] =	stream.strided.gather @!p0 [hbm4b:s0+s13], $0x1000, s6, s13, $0x38;
	[tilespmem:$0x14280] =	vst v63  }
0xdf: {  	_ =	swait.ge [sflag:s25], $0x1000  }
0xe0: {  	[sflag:s25] =	ssyncset.done $0x0  }
0xe1: {  	[sflag:s25] =	ssyncadd.s32 $0xFFFFF000  }
0xe2: {  	_ =	swait.ge [sflag:s25], $0x1000  }
0xe3: {  	[sflag:s25] =	ssyncset.done $0x0  }
0xe4: {  	s16 =	spop (v2sf);
	[sflag:s25] =	ssyncadd.s32 $0xFFFFF000  }
0xe5: {  	_ =	swait.ge [sflag:s25], $0x1000  }
0xe6: {  	s0 =	sand.u32 $0x7F, s16;
	s17 =	spop (v2sf)  }
0xe7: {  	v2 =	vor.u32 s0, v0;
	[sflag:s25] =	ssyncset.done $0x0;
	s18 =	spop (v2sf)  }
0xe8: {  	[sflag:s25] =	ssyncadd.s32 $0xFFFFF000;
	s19 =	spop (v2sf)  }
0xe9: {  	_ =	swait.ge [sflag:s25], $0x1000  }
0xea: {  	s20 =	sand.u32 $0xC000, s30;
	[sflag:s25] =	ssyncset.done $0x0  }
0xeb: {  	s14 =	sor.u32 $0x280, s20;
	[sflag:s25] =	ssyncadd.s32 $0xFFFFF000  }
0xec: {  	v2 =	vld.idx.msk [tilespmem:v2+s14+$0x0], $0xffff  }
0xed: {  	v3 =	vor.u32 s0, v1;
	_ =	sdelay $0x2  }
0xee: {  	s15 =	sand.u32 $0x3E00, s31  }
0xef: {  	[tilespmem:s15+$0x10280] =	vst v2  }
0xf0: {  	s1 =	sand.u32 $0x7F, s17;
	v2 =	vld.idx.msk [tilespmem:v3+s14+$0x0], $0xffff  }
0xf1: {  	v3 =	vor.u32 s1, v0;
	_ =	sdelay $0x3  }
0xf2: {  	s16 =	sor.u32 $0x1280, s20;
	[tilespmem:s15+$0x10290] =	vst v2  }
0xf3: {  	v2 =	vld.idx.msk [tilespmem:v3+s16+$0x0], $0xffff  }
0xf4: {  	v3 =	vor.u32 s1, v1;
	_ =	sdelay $0x3  }
0xf5: {  	[tilespmem:s15+$0x10300] =	vst v2  }
0xf6: {  	s17 =	sand.u32 $0x7F, s18;
	v2 =	vld.idx.msk [tilespmem:v3+s16+$0x0], $0xffff  }
0xf7: {  	v3 =	vor.u32 s17, v0;
	_ =	sdelay $0x3  }
0xf8: {  	s18 =	sor.u32 $0x2280, s20;
	[tilespmem:s15+$0x10310] =	vst v2  }
0xf9: {  	v2 =	vld.idx.msk [tilespmem:v3+s18+$0x0], $0xffff  }
0xfa: {  	v3 =	vor.u32 s17, v1;
	_ =	sdelay $0x3  }
0xfb: {  	[tilespmem:s15+$0x10380] =	vst v2  }
0xfc: {  	s19 =	sand.u32 $0x7F, s19;
	v2 =	vld.idx.msk [tilespmem:v3+s18+$0x0], $0xffff  }
0xfd: {  	v3 =	vor.u32 s19, v0;
	_ =	sdelay $0x3  }
0xfe: {  	s20 =	sor.u32 $0x3280, s20;
	[tilespmem:s15+$0x10390] =	vst v2  }
0xff: {  	v2 =	vld.idx.msk [tilespmem:v3+s20+$0x0], $0xffff  }
0x100: {  	v3 =	vor.u32 s19, v1;
	_ =	sdelay $0x3  }
0x101: {  	[tilespmem:s15+$0x10400] =	vst v2  }
0x102: {  	s6 =	sand.u32 $0x1F, s29;
	v2 =	vld.idx.msk [tilespmem:v3+s20+$0x0], $0xffff  }
0x103: {  	p0 =	sne.s32 s6, $0x1F  }
0x104: {  	s1 =	sand.u32 @!p0 $0x180, s28  }
0x105: {  	s1 =	sor.u32 @!p0 s5, s1  }
0x106: {  	s9 =	simm.s32 @!p0 $0x2;
	s6 =	rddreg [dreg:$0x5];
	s1 =	sshll.u32 @!p0 s1, $0x4  }
0x107: {  	s0 =	sadd.s32 @!p0 s6, s1;
	s1 =	simm.s32 @!p0 $0x0;
	s6 =	simm.s32 @!p0 $0x10280;
	[tilespmem:s15+$0x10410] =	vst v2  }
0x108: {  	[hbm4b:s0+s1] =	stream.linear.scatter @!p0 [tilespmem:s6], [sflag:$0x2], $0x4000, $0x38;
	[tilespmem:$0x14280] =	vst v63  }
0x109: {  	_ =	swait.ge @!p0 [sflag:s9], $0x4000  }
0x10a: {  	[sflag:s9] =	ssyncset.done @!p0 $0x0  }
0x10b: {  	s0 =	simm.s32 $0x0;
	[sflag:s9] =	ssyncadd.s32 @!p0 $0xFFFFC000;
	s9 =	simm.s32 $0x80  }
0x10c: {  	[tilespmem:s0], [sflag:$0x2] =	stream.strided.gather [hbm4b:s7+s9], $0x200, s10, s9, $0x38;
	[tilespmem:$0x14280] =	vst v63  }
0x10d: {  	_ =	swait.ge [sflag:s11], $0x200  }
0x10e: {  	[sflag:s11] =	ssyncset.done $0x0  }
0x10f: {  	[sflag:s11] =	ssyncadd.s32 $0xFFFFFE00  }
0x110: {  	v2 =	vld [tilespmem:$0x0];
	_ =	sdelay $0x4  }
0x111: {  	(v2sf) =	vpush v2, $0x0;
	_ =	sdelay $0x1  }
0x112: {  	(v2sf) =	vpush v2, $0x1;
	_ =	sdelay $0x2  }
0x113: {  	(v2sf) =	vpush v2, $0x2;
	_ =	sdelay $0x2  }
0x114: {  	(v2sf) =	vpush v2, $0x3;
	_ =	sdelay $0x6  }
0x115: {  	s13 =	spop (v2sf)  }
0x116: {  	s1 =	sand.u32 $0xFFFFF80, s13  }
0x117: {  	s14 =	simm.s32 $0x280;
	s15 =	spop (v2sf);
	s1 =	sadd.s32 s3, s1  }
0x118: {  	[tilespmem:s14], [sflag:$0x1] =	stream.strided.gather [hbm4b:s1+s10], $0x1000, s12, s10, $0x38;
	[tilespmem:$0x14280] =	vst v63  }
0x119: {  	s1 =	sand.u32 $0xFFFFF80, s15  }
0x11a: {  	s16 =	simm.s32 $0x1280;
	s17 =	spop (v2sf);
	s1 =	sadd.s32 s3, s1  }
0x11b: {  	[tilespmem:s16], [sflag:$0x1] =	stream.strided.gather [hbm4b:s1+s10], $0x1000, s12, s10, $0x38;
	[tilespmem:$0x14280] =	vst v63  }
0x11c: {  	s1 =	sand.u32 $0xFFFFF80, s17  }
0x11d: {  	s18 =	simm.s32 $0x2280;
	s19 =	spop (v2sf);
	s1 =	sadd.s32 s3, s1  }
0x11e: {  	[tilespmem:s18], [sflag:$0x1] =	stream.strided.gather [hbm4b:s1+s10], $0x1000, s12, s10, $0x38;
	[tilespmem:$0x14280] =	vst v63  }
0x11f: {  	s1 =	sand.u32 $0xFFFFF80, s19  }
0x120: {  	s20 =	simm.s32 $0x3280;
	s1 =	sadd.s32 s3, s1  }
0x121: {  	[tilespmem:s20], [sflag:$0x1] =	stream.strided.gather [hbm4b:s1+s10], $0x1000, s12, s10, $0x38;
	[tilespmem:$0x14280] =	vst v63  }
0x122: {  	v2 =	vld [tilespmem:$0x4];
	_ =	sdelay $0x4  }
0x123: {  	(v2sf) =	vpush v2, $0x0;
	_ =	sdelay $0x1  }
0x124: {  	(v2sf) =	vpush v2, $0x1;
	_ =	sdelay $0x2  }
0x125: {  	(v2sf) =	vpush v2, $0x2;
	_ =	sdelay $0x2  }
0x126: {  	(v2sf) =	vpush v2, $0x3;
	_ =	sdelay $0x6  }
0x127: {  	s9 =	spop (v2sf)  }
0x128: {  	s1 =	sand.u32 $0xFFFFF80, s9  }
0x129: {  	s13 =	simm.s32 $0x4280;
	s14 =	spop (v2sf);
	s1 =	sadd.s32 s3, s1  }
0x12a: {  	[tilespmem:s13], [sflag:$0x1] =	stream.strided.gather [hbm4b:s1+s10], $0x1000, s12, s10, $0x38;
	[tilespmem:$0x14280] =	vst v63  }
0x12b: {  	s1 =	sand.u32 $0xFFFFF80, s14  }
0x12c: {  	s15 =	simm.s32 $0x5280;
	s16 =	spop (v2sf);
	s1 =	sadd.s32 s3, s1  }
0x12d: {  	[tilespmem:s15], [sflag:$0x1] =	stream.strided.gather [hbm4b:s1+s10], $0x1000, s12, s10, $0x38;
	[tilespmem:$0x14280] =	vst v63  }
0x12e: {  	s1 =	sand.u32 $0xFFFFF80, s16  }
0x12f: {  	s17 =	simm.s32 $0x6280;
	s18 =	spop (v2sf);
	s1 =	sadd.s32 s3, s1  }
0x130: {  	[tilespmem:s17], [sflag:$0x1] =	stream.strided.gather [hbm4b:s1+s10], $0x1000, s12, s10, $0x38;
	[tilespmem:$0x14280] =	vst v63  }
0x131: {  	s1 =	sand.u32 $0xFFFFF80, s18  }
0x132: {  	s19 =	simm.s32 $0x7280;
	s1 =	sadd.s32 s3, s1  }
0x133: {  	[tilespmem:s19], [sflag:$0x1] =	stream.strided.gather [hbm4b:s1+s10], $0x1000, s12, s10, $0x38;
	[tilespmem:$0x14280] =	vst v63  }
0x134: {  	v2 =	vld [tilespmem:$0x8];
	_ =	sdelay $0x4  }
0x135: {  	(v2sf) =	vpush v2, $0x0;
	_ =	sdelay $0x1  }
0x136: {  	(v2sf) =	vpush v2, $0x1;
	_ =	sdelay $0x2  }
0x137: {  	(v2sf) =	vpush v2, $0x2;
	_ =	sdelay $0x2  }
0x138: {  	(v2sf) =	vpush v2, $0x3;
	_ =	sdelay $0x6  }
0x139: {  	s20 =	spop (v2sf)  }
0x13a: {  	s1 =	sand.u32 $0xFFFFF80, s20  }
0x13b: {  	s6 =	spop (v2sf);
	s1 =	sadd.s32 s3, s1  }
0x13c: {  	[tilespmem:s21], [sflag:$0x1] =	stream.strided.gather [hbm4b:s1+s10], $0x1000, s12, s10, $0x38;
	[tilespmem:$0x14280] =	vst v63  }
0x13d: {  	s1 =	sand.u32 $0xFFFFF80, s6  }
0x13e: {  	s9 =	spop (v2sf);
	s1 =	sadd.s32 s3, s1  }
0x13f: {  	[tilespmem:s22], [sflag:$0x1] =	stream.strided.gather [hbm4b:s1+s10], $0x1000, s12, s10, $0x38;
	[tilespmem:$0x14280] =	vst v63  }
0x140: {  	s1 =	sand.u32 $0xFFFFF80, s9  }
0x141: {  	s13 =	spop (v2sf);
	s1 =	sadd.s32 s3, s1  }
0x142: {  	[tilespmem:s23], [sflag:$0x1] =	stream.strided.gather [hbm4b:s1+s10], $0x1000, s12, s10, $0x38;
	[tilespmem:$0x14280] =	vst v63  }
0x143: {  	s1 =	sand.u32 $0xFFFFF80, s13  }
0x144: {  	s1 =	sadd.s32 s3, s1  }
0x145: {  	[tilespmem:s24], [sflag:$0x1] =	stream.strided.gather [hbm4b:s1+s10], $0x1000, s12, s10, $0x38;
	[tilespmem:$0x14280] =	vst v63  }
0x146: {  	p0 =	por $0x0, $0x0;
	s1 =	simm.s32 $0xC  }
0x147: {  	v2 =	vld @!p0 [tilespmem:s1+$0x0];
	_ =	sdelay $0x4  }
0x148: {  	(v2sf) =	vpush @!p0 v2, $0x0  }
0x149: {  	(v2sf) =	vpush @!p0 v2, $0x1;
	_ =	sdelay $0x2  }
0x14a: {  	(v2sf) =	vpush @!p0 v2, $0x2;
	_ =	sdelay $0x1  }
0x14b: {  	(v2sf) =	vpush @!p0 v2, $0x3;
	_ =	sdelay $0x4  }
0x14c: {  	v2 =	vld [tilespmem:s1+$0xFFFFFFF4];
	_ =	sdelay $0x2  }
0x14d: {  	s15 =	simm.s32 @!p0 $0x400  }
0x14e: {  	s13 =	simm.s32 @!p0 $0x7A1400;
	s1 =	simm.s32 @!p0 $0xC000;
	s9 =	spop @!p0 (v2sf)  }
0x14f: {  	s1 =	sand.u32 @!p0 $0xC000, s1;
	(v2sf) =	vpush v2, $0x0;
	s9 =	sand.u32 @!p0 $0xFFFFF80, s9;
	s14 =	spop @!p0 (v2sf)  }
0x150: {  	s6 =	sor.u32 @!p0 $0x280, s1;
	s9 =	sadd.s32 @!p0 s3, s9;
	s14 =	sand.u32 @!p0 $0xFFFFF80, s14  }
0x151: {  	(v2sf) =	vpush v2, $0x1;
	[tilespmem:s6], [sflag:$0x1] =	stream.strided.gather @!p0 [hbm4b:s9+s15], $0x1000, s13, s15, $0x38;
	[tilespmem:$0x14280] =	vst v63  }
0x152: {  	s6 =	sor.u32 @!p0 $0x1280, s1;
	s9 =	spop @!p0 (v2sf);
	(v2sf) =	vpush v2, $0x2;
	s14 =	sadd.s32 @!p0 s3, s14  }
0x153: {  	(v2sf) =	vpush v2, $0x3;
	[tilespmem:s6], [sflag:$0x1] =	stream.strided.gather @!p0 [hbm4b:s14+s15], $0x1000, s13, s15, $0x38;
	[tilespmem:$0x14280] =	vst v63  }
0x154: {  	s6 =	sand.u32 @!p0 $0xFFFFF80, s9;
	s9 =	spop @!p0 (v2sf)  }
0x155: {  	s14 =	sor.u32 @!p0 $0x2280, s1;
	s6 =	sadd.s32 @!p0 s3, s6;
	s9 =	sand.u32 @!p0 $0xFFFFF80, s9  }
0x156: {  	[tilespmem:s14], [sflag:$0x1] =	stream.strided.gather @!p0 [hbm4b:s6+s15], $0x1000, s13, s15, $0x38;
	[tilespmem:$0x14280] =	vst v63  }
0x157: {  	s1 =	sor.u32 @!p0 $0x3280, s1;
	s6 =	sadd.s32 @!p0 s3, s9  }
0x158: {  	[tilespmem:s1], [sflag:$0x1] =	stream.strided.gather @!p0 [hbm4b:s6+s15], $0x1000, s13, s15, $0x38;
	[tilespmem:$0x14280] =	vst v63  }
0x159: {  	_ =	swait.ge [sflag:s25], $0x1000  }
0x15a: {  	[sflag:s25] =	ssyncset.done $0x0  }
0x15b: {  	[sflag:s25] =	ssyncadd.s32 $0xFFFFF000  }
0x15c: {  	_ =	swait.ge [sflag:s25], $0x1000  }
0x15d: {  	[sflag:s25] =	ssyncset.done $0x0  }
0x15e: {  	[sflag:s25] =	ssyncadd.s32 $0xFFFFF000;
	s14 =	spop (v2sf)  }
0x15f: {  	_ =	swait.ge [sflag:s25], $0x1000  }
0x160: {  	s1 =	sand.u32 $0x7F, s14;
	s15 =	spop (v2sf)  }
0x161: {  	[sflag:s25] =	ssyncset.done $0x0;
	v2 =	vor.u32 s1, v0;
	s17 =	spop (v2sf)  }
0x162: {  	[sflag:s25] =	ssyncadd.s32 $0xFFFFF000;
	s13 =	spop (v2sf)  }
0x163: {  	_ =	swait.ge [sflag:s25], $0x1000  }
0x164: {  	s14 =	sand.u32 $0xC000, s0;
	[sflag:s25] =	ssyncset.done $0x0  }
0x165: {  	s18 =	sor.u32 $0x280, s14;
	[sflag:s25] =	ssyncadd.s32 $0xFFFFF000  }
0x166: {  	v2 =	vld.idx.msk [tilespmem:v2+s18+$0x0], $0xffff  }
0x167: {  	v3 =	vor.u32 s1, v1;
	_ =	sdelay $0x2  }
0x168: {  	s16 =	sand.u32 $0x3E00, s0  }
0x169: {  	[tilespmem:s16+$0x10280] =	vst v2  }
0x16a: {  	s19 =	sand.u32 $0x7F, s15;
	v2 =	vld.idx.msk [tilespmem:v3+s18+$0x0], $0xffff  }
0x16b: {  	v3 =	vor.u32 s19, v0;
	_ =	sdelay $0x3  }
0x16c: {  	s20 =	sor.u32 $0x1280, s14;
	[tilespmem:s16+$0x10290] =	vst v2  }
0x16d: {  	v2 =	vld.idx.msk [tilespmem:v3+s20+$0x0], $0xffff  }
0x16e: {  	v3 =	vor.u32 s19, v1;
	_ =	sdelay $0x3  }
0x16f: {  	[tilespmem:s16+$0x10300] =	vst v2  }
0x170: {  	s15 =	sand.u32 $0x7F, s17;
	v2 =	vld.idx.msk [tilespmem:v3+s20+$0x0], $0xffff  }
0x171: {  	v3 =	vor.u32 s15, v0;
	_ =	sdelay $0x3  }
0x172: {  	s17 =	sor.u32 $0x2280, s14;
	[tilespmem:s16+$0x10310] =	vst v2  }
0x173: {  	v2 =	vld.idx.msk [tilespmem:v3+s17+$0x0], $0xffff  }
0x174: {  	v3 =	vor.u32 s15, v1;
	_ =	sdelay $0x3  }
0x175: {  	[tilespmem:s16+$0x10380] =	vst v2  }
0x176: {  	s18 =	sand.u32 $0x7F, s13;
	v2 =	vld.idx.msk [tilespmem:v3+s17+$0x0], $0xffff  }
0x177: {  	v3 =	vor.u32 s18, v0;
	_ =	sdelay $0x3  }
0x178: {  	s19 =	sor.u32 $0x3280, s14;
	[tilespmem:s16+$0x10390] =	vst v2  }
0x179: {  	v2 =	vld.idx.msk [tilespmem:v3+s19+$0x0], $0xffff  }
0x17a: {  	v3 =	vor.u32 s18, v1;
	_ =	sdelay $0x3  }
0x17b: {  	[tilespmem:s16+$0x10400] =	vst v2  }
0x17c: {  	s20 =	sand.u32 $0x1F, s0;
	v2 =	vld.idx.msk [tilespmem:v3+s19+$0x0], $0xffff  }
0x17d: {  	p2 =	sne.s32 s20, $0x1F  }
0x17e: {  	s0 =	sand.u32 @!p2 $0x180, s0  }
0x17f: {  	s31 =	simm.s32 $0x200;
	s30 =	simm.s32 $0x4000;
	s0 =	sor.u32 @!p2 s5, s0  }
0x180: {  	s6 =	rddreg [dreg:$0x6];
	s13 =	simm.s32 @!p2 $0x2;
	s0 =	sshll.u32 @!p2 s0, $0x4  }
0x181: {  	s9 =	simm.s32 @!p2 $0x10280;
	s0 =	sadd.s32 @!p2 s6, s0;
	s6 =	simm.s32 @!p2 $0x0;
	[tilespmem:s16+$0x10410] =	vst v2  }
0x182: {  	[hbm4b:s0+s6] =	stream.linear.scatter @!p2 [tilespmem:s9], [sflag:$0x2], $0x4000, $0x38;
	[tilespmem:$0x14280] =	vst v63  }
0x183: {  	s29 =	simm.s32 $0x1;
	s28 =	simm.s32 $0x4;
	_ =	swait.ge @!p2 [sflag:s13], $0x4000  }
0x184: {  	s1 =	simm.s32 $0x8000;
	s0 =	simm.s32 $0x10;
	[sflag:s13] =	ssyncset.done @!p2 $0x0  }
.LBB2_4:
0x185: {  	p1 =	sgt.u32 s29, $0x7C;
	[sflag:s13] =	ssyncadd.s32 @!p2 $0xFFFFC000  }
0x186: {  	v2 =	vld @!p1 [tilespmem:s0+$0x0];
	_ =	sdelay $0x4  }
0x187: {  	(v2sf) =	vpush @!p1 v2, $0x0  }
0x188: {  	(v2sf) =	vpush @!p1 v2, $0x1  }
0x189: {  	(v2sf) =	vpush @!p1 v2, $0x2;
	_ =	sdelay $0x1  }
0x18a: {  	(v2sf) =	vpush @!p1 v2, $0x3;
	_ =	sdelay $0x5  }
0x18b: {  	v2 =	vld [tilespmem:s0+$0xFFFFFFF4];
	_ =	sdelay $0x2  }
0x18c: {  	s6 =	sadd.s32 @!p1 $0xC000, s30  }
0x18d: {  	s16 =	simm.s32 @!p1 $0x7A1400;
	s6 =	sand.u32 @!p1 $0xC000, s6  }
0x18e: {  	s18 =	simm.s32 @!p1 $0x400;
	s13 =	sor.u32 @!p1 $0x280, s6;
	s17 =	spop @!p1 (v2sf);
	(v2sf) =	vpush v2, $0x0  }
0x18f: {  	s14 =	sor.u32 @!p1 $0x1280, s6;
	s17 =	sand.u32 @!p1 $0xFFFFF80, s17;
	s19 =	spop @!p1 (v2sf)  }
0x190: {  	(v2sf) =	vpush v2, $0x1;
	s17 =	sadd.s32 @!p1 s3, s17;
	s19 =	sand.u32 @!p1 $0xFFFFF80, s19;
	s20 =	spop @!p1 (v2sf)  }
0x191: {  	(v2sf) =	vpush v2, $0x2;
	[tilespmem:s13], [sflag:$0x1] =	stream.strided.gather @!p1 [hbm4b:s17+s18], $0x1000, s16, s18, $0x38;
	[tilespmem:$0x14280] =	vst v63  }
0x192: {  	(v2sf) =	vpush v2, $0x3;
	s13 =	sadd.s32 @!p1 s3, s19;
	s17 =	sand.u32 @!p1 $0xFFFFF80, s20;
	s19 =	spop @!p1 (v2sf)  }
0x193: {  	[tilespmem:s14], [sflag:$0x1] =	stream.strided.gather @!p1 [hbm4b:s13+s18], $0x1000, s16, s18, $0x38;
	[tilespmem:$0x14280] =	vst v63  }
0x194: {  	s15 =	sor.u32 @!p1 $0x2280, s6;
	s13 =	sadd.s32 @!p1 s3, s17;
	s14 =	sand.u32 @!p1 $0xFFFFF80, s19  }
0x195: {  	[tilespmem:s15], [sflag:$0x1] =	stream.strided.gather @!p1 [hbm4b:s13+s18], $0x1000, s16, s18, $0x38;
	[tilespmem:$0x14280] =	vst v63  }
0x196: {  	s6 =	sor.u32 @!p1 $0x3280, s6;
	s13 =	sadd.s32 @!p1 s3, s14  }
0x197: {  	[tilespmem:s6], [sflag:$0x1] =	stream.strided.gather @!p1 [hbm4b:s13+s18], $0x1000, s16, s18, $0x38;
	[tilespmem:$0x14280] =	vst v63  }
0x198: {  	_ =	swait.ge [sflag:s25], $0x1000  }
0x199: {  	[sflag:s25] =	ssyncset.done $0x0  }
0x19a: {  	[sflag:s25] =	ssyncadd.s32 $0xFFFFF000  }
0x19b: {  	_ =	swait.ge [sflag:s25], $0x1000  }
0x19c: {  	[sflag:s25] =	ssyncset.done $0x0  }
0x19d: {  	[sflag:s25] =	ssyncadd.s32 $0xFFFFF000;
	s14 =	spop (v2sf)  }
0x19e: {  	_ =	swait.ge [sflag:s25], $0x1000  }
0x19f: {  	s6 =	sand.u32 $0x7F, s14;
	s15 =	spop (v2sf)  }
0x1a0: {  	[sflag:s25] =	ssyncset.done $0x0;
	v2 =	vor.u32 s6, v0;
	s20 =	spop (v2sf)  }
0x1a1: {  	[sflag:s25] =	ssyncadd.s32 $0xFFFFF000;
	s18 =	spop (v2sf)  }
0x1a2: {  	_ =	swait.ge [sflag:s25], $0x1000  }
0x1a3: {  	s19 =	sand.u32 $0xC000, s30;
	[sflag:s25] =	ssyncset.done $0x0  }
0x1a4: {  	s14 =	sand.u32 $0x7F, s20;
	s20 =	sor.u32 $0x280, s19;
	[sflag:s25] =	ssyncadd.s32 $0xFFFFF000  }
0x1a5: {  	v2 =	vld.idx.msk [tilespmem:v2+s20+$0x0], $0xffff  }
0x1a6: {  	v3 =	vor.u32 s6, v1;
	_ =	sdelay $0x1  }
0x1a7: {  	s9 =	smov.u32 s1  }
0x1a8: {  	s30 =	smov.u32 s9;
	s9 =	sand.u32 $0x3E00, s31  }
0x1a9: {  	[tilespmem:s9+$0x10280] =	vst v2  }
0x1aa: {  	s16 =	sand.u32 $0x7F, s15;
	v2 =	vld.idx.msk [tilespmem:v3+s20+$0x0], $0xffff  }
0x1ab: {  	v3 =	vor.u32 s16, v0;
	_ =	sdelay $0x3  }
0x1ac: {  	s17 =	sor.u32 $0x1280, s19;
	[tilespmem:s9+$0x10290] =	vst v2  }
0x1ad: {  	v2 =	vld.idx.msk [tilespmem:v3+s17+$0x0], $0xffff  }
0x1ae: {  	v3 =	vor.u32 s16, v1;
	_ =	sdelay $0x3  }
0x1af: {  	[tilespmem:s9+$0x10300] =	vst v2  }
0x1b0: {  	v2 =	vld.idx.msk [tilespmem:v3+s17+$0x0], $0xffff  }
0x1b1: {  	v3 =	vor.u32 s14, v0;
	_ =	sdelay $0x3  }
0x1b2: {  	s13 =	sand.u32 $0x7F, s18;
	s18 =	sor.u32 $0x2280, s19;
	[tilespmem:s9+$0x10310] =	vst v2  }
0x1b3: {  	v2 =	vld.idx.msk [tilespmem:v3+s18+$0x0], $0xffff  }
0x1b4: {  	v3 =	vor.u32 s14, v1;
	_ =	sdelay $0x3  }
0x1b5: {  	[tilespmem:s9+$0x10380] =	vst v2  }
0x1b6: {  	v2 =	vld.idx.msk [tilespmem:v3+s18+$0x0], $0xffff  }
0x1b7: {  	v3 =	vor.u32 s13, v0;
	_ =	sdelay $0x3  }
0x1b8: {  	s19 =	sor.u32 $0x3280, s19;
	[tilespmem:s9+$0x10390] =	vst v2  }
0x1b9: {  	v2 =	vld.idx.msk [tilespmem:v3+s19+$0x0], $0xffff  }
0x1ba: {  	v3 =	vor.u32 s13, v1;
	_ =	sdelay $0x3  }
0x1bb: {  	s20 =	sand.u32 $0x1F, s29;
	[tilespmem:s9+$0x10400] =	vst v2  }
0x1bc: {  	p2 =	sne.s32 s20, $0x1F;
	v2 =	vld.idx.msk [tilespmem:v3+s19+$0x0], $0xffff  }
0x1bd: {  	s6 =	sand.u32 @!p2 $0x180, s28  }
0x1be: {  	s1 =	sadd.s32 $0x4000, s1;
	s6 =	sor.u32 @!p2 s5, s6  }
0x1bf: {  	p0 =	sne.s32 s1, $0x200000;
	s6 =	sshll.u32 @!p2 s6, $0x4;
	s14 =	rddreg [dreg:$0x6]  }
.Ltmp1:
0x1c0: {  	s6 =	sadd.s32 @!p2 s14, s6;
	(pc) =	sbr.rel @p0 .LBB2_4-.Ltmp1, $4  }
0x1c1: {  	s14 =	simm.s32 @!p2 $0x10280;
	s13 =	simm.s32 @!p2 $0x2;
	[tilespmem:s9+$0x10410] =	vst v2;
	s9 =	simm.s32 @!p2 $0x0  }
0x1c2: {  	[hbm4b:s6+s9] =	stream.linear.scatter @!p2 [tilespmem:s14], [sflag:$0x2], $0x4000, $0x38;
	[tilespmem:$0x14280] =	vst v63  }
0x1c3: {  	s0 =	sadd.s32 $0x4, s0;
	s31 =	sadd.s32 $0x200, s31;
	_ =	swait.ge @!p2 [sflag:s13], $0x4000  }
0x1c4: {  	s29 =	sadd.s32 $0x1, s29;
	s28 =	sadd.s32 $0x4, s28;
	[sflag:s13] =	ssyncset.done @!p2 $0x0  }
0x1c5: {  	p0 =	sgt.u32 s29, $0x7C;
	[sflag:s13] =	ssyncadd.s32 @!p2 $0xFFFFC000  }
0x1c6: {  	v2 =	vld @!p0 [tilespmem:s0+$0x0];
	_ =	sdelay $0x4  }
0x1c7: {  	(v2sf) =	vpush @!p0 v2, $0x0  }
0x1c8: {  	(v2sf) =	vpush @!p0 v2, $0x1  }
0x1c9: {  	(v2sf) =	vpush @!p0 v2, $0x2;
	_ =	sdelay $0x1  }
0x1ca: {  	(v2sf) =	vpush @!p0 v2, $0x3;
	_ =	sdelay $0x5  }
0x1cb: {  	v2 =	vld [tilespmem:s0+$0xFFFFFFF4];
	_ =	sdelay $0x2  }
0x1cc: {  	s0 =	sadd.s32 @!p0 $0xC000, s30  }
0x1cd: {  	s9 =	simm.s32 @!p0 $0x7A1400;
	s0 =	sand.u32 @!p0 $0xC000, s0  }
0x1ce: {  	s14 =	simm.s32 @!p0 $0x400;
	s1 =	sor.u32 @!p0 $0x280, s0;
	s13 =	spop @!p0 (v2sf);
	(v2sf) =	vpush v2, $0x0  }
0x1cf: {  	s6 =	sor.u32 @!p0 $0x1280, s0;
	s13 =	sand.u32 @!p0 $0xFFFFF80, s13;
	s15 =	spop @!p0 (v2sf)  }
0x1d0: {  	(v2sf) =	vpush v2, $0x1;
	s13 =	sadd.s32 @!p0 s3, s13;
	s15 =	sand.u32 @!p0 $0xFFFFF80, s15;
	s16 =	spop @!p0 (v2sf)  }
0x1d1: {  	(v2sf) =	vpush v2, $0x2;
	[tilespmem:s1], [sflag:$0x1] =	stream.strided.gather @!p0 [hbm4b:s13+s14], $0x1000, s9, s14, $0x38;
	[tilespmem:$0x14280] =	vst v63  }
0x1d2: {  	(v2sf) =	vpush v2, $0x3;
	s1 =	sadd.s32 @!p0 s3, s15;
	s13 =	sand.u32 @!p0 $0xFFFFF80, s16;
	s15 =	spop @!p0 (v2sf)  }
0x1d3: {  	[tilespmem:s6], [sflag:$0x1] =	stream.strided.gather @!p0 [hbm4b:s1+s14], $0x1000, s9, s14, $0x38;
	[tilespmem:$0x14280] =	vst v63  }
0x1d4: {  	s1 =	sor.u32 @!p0 $0x2280, s0;
	s6 =	sadd.s32 @!p0 s3, s13;
	s13 =	sand.u32 @!p0 $0xFFFFF80, s15  }
0x1d5: {  	[tilespmem:s1], [sflag:$0x1] =	stream.strided.gather @!p0 [hbm4b:s6+s14], $0x1000, s9, s14, $0x38;
	[tilespmem:$0x14280] =	vst v63  }
0x1d6: {  	s0 =	sor.u32 @!p0 $0x3280, s0;
	s1 =	sadd.s32 @!p0 s3, s13  }
0x1d7: {  	[tilespmem:s0], [sflag:$0x1] =	stream.strided.gather @!p0 [hbm4b:s1+s14], $0x1000, s9, s14, $0x38;
	[tilespmem:$0x14280] =	vst v63  }
0x1d8: {  	_ =	swait.ge [sflag:s25], $0x1000  }
0x1d9: {  	[sflag:s25] =	ssyncset.done $0x0  }
0x1da: {  	[sflag:s25] =	ssyncadd.s32 $0xFFFFF000  }
0x1db: {  	_ =	swait.ge [sflag:s25], $0x1000  }
0x1dc: {  	[sflag:s25] =	ssyncset.done $0x0  }
0x1dd: {  	[sflag:s25] =	ssyncadd.s32 $0xFFFFF000;
	s17 =	spop (v2sf)  }
0x1de: {  	_ =	swait.ge [sflag:s25], $0x1000  }
0x1df: {  	s0 =	sand.u32 $0x7F, s17;
	s18 =	spop (v2sf)  }
0x1e0: {  	[sflag:s25] =	ssyncset.done $0x0;
	v2 =	vor.u32 s0, v0;
	s19 =	spop (v2sf)  }
0x1e1: {  	[sflag:s25] =	ssyncadd.s32 $0xFFFFF000;
	s20 =	spop (v2sf)  }
0x1e2: {  	_ =	swait.ge [sflag:s25], $0x1000  }
0x1e3: {  	s30 =	sand.u32 $0xC000, s30;
	[sflag:s25] =	ssyncset.done $0x0  }
0x1e4: {  	s15 =	sor.u32 $0x280, s30;
	[sflag:s25] =	ssyncadd.s32 $0xFFFFF000  }
0x1e5: {  	v2 =	vld.idx.msk [tilespmem:v2+s15+$0x0], $0xffff  }
0x1e6: {  	v3 =	vor.u32 s0, v1;
	_ =	sdelay $0x2  }
0x1e7: {  	s16 =	sand.u32 $0x3E00, s31  }
0x1e8: {  	[tilespmem:s16+$0x10280] =	vst v2  }
0x1e9: {  	s1 =	sand.u32 $0x7F, s18;
	v2 =	vld.idx.msk [tilespmem:v3+s15+$0x0], $0xffff  }
0x1ea: {  	v3 =	vor.u32 s1, v0;
	_ =	sdelay $0x3  }
0x1eb: {  	s17 =	sor.u32 $0x1280, s30;
	[tilespmem:s16+$0x10290] =	vst v2  }
0x1ec: {  	v2 =	vld.idx.msk [tilespmem:v3+s17+$0x0], $0xffff  }
0x1ed: {  	v3 =	vor.u32 s1, v1;
	_ =	sdelay $0x3  }
0x1ee: {  	[tilespmem:s16+$0x10300] =	vst v2  }
0x1ef: {  	s18 =	sand.u32 $0x7F, s19;
	v2 =	vld.idx.msk [tilespmem:v3+s17+$0x0], $0xffff  }
0x1f0: {  	v3 =	vor.u32 s18, v0;
	_ =	sdelay $0x3  }
0x1f1: {  	s19 =	sor.u32 $0x2280, s30;
	[tilespmem:s16+$0x10310] =	vst v2  }
0x1f2: {  	v2 =	vld.idx.msk [tilespmem:v3+s19+$0x0], $0xffff  }
0x1f3: {  	v3 =	vor.u32 s18, v1;
	_ =	sdelay $0x3  }
0x1f4: {  	[tilespmem:s16+$0x10380] =	vst v2  }
0x1f5: {  	s20 =	sand.u32 $0x7F, s20;
	v2 =	vld.idx.msk [tilespmem:v3+s19+$0x0], $0xffff  }
0x1f6: {  	v3 =	vor.u32 s20, v0;
	_ =	sdelay $0x3  }
0x1f7: {  	s30 =	sor.u32 $0x3280, s30;
	[tilespmem:s16+$0x10390] =	vst v2  }
0x1f8: {  	v2 =	vld.idx.msk [tilespmem:v3+s30+$0x0], $0xffff  }
0x1f9: {  	v3 =	vor.u32 s20, v1;
	_ =	sdelay $0x3  }
0x1fa: {  	s31 =	sand.u32 $0x1F, s29;
	[tilespmem:s16+$0x10400] =	vst v2  }
0x1fb: {  	p0 =	sne.s32 s31, $0x1F;
	v2 =	vld.idx.msk [tilespmem:v3+s30+$0x0], $0xffff  }
0x1fc: {  	s1 =	sand.u32 @!p0 $0x180, s28  }
0x1fd: {  	s1 =	sor.u32 @!p0 s5, s1  }
0x1fe: {  	s26 =	sadd.s32 $0x1, s26;
	s6 =	rddreg [dreg:$0x6];
	s1 =	sshll.u32 @!p0 s1, $0x4  }
0x1ff: {  	p1 =	sne.s32 s26, s8;
	s9 =	simm.s32 @!p0 $0x2;
	s0 =	sadd.s32 @!p0 s6, s1  }
.Ltmp2:
0x200: {  	s1 =	simm.s32 @!p0 $0x0;
	s6 =	simm.s32 @!p0 $0x10280;
	[tilespmem:s16+$0x10410] =	vst v2;
	(pc) =	sbr.rel @p1 .LBB2_1-.Ltmp2, $4  }
0x201: {  	[hbm4b:s0+s1] =	stream.linear.scatter @!p0 [tilespmem:s6], [sflag:$0x2], $0x4000, $0x38;
	[tilespmem:$0x14280] =	vst v63  }
0x202: {  	_ =	swait.ge @!p0 [sflag:s9], $0x4000  }
0x203: {  	[sflag:s9] =	ssyncset.done @!p0 $0x0  }
0x204: {  	[sflag:s9] =	ssyncadd.s32 @!p0 $0xFFFFC000  }
0x205: {  	_ =	sfence.sel $0x180000  }
0x206: {  	[bflag:$0x0] =	sbarrier.arrive $0xFFFF  }
0x207: {  	_ =	strace $0x90000047  }
0x208: {  	s0 =	stileid.u32;
	[bflag:$0x2] =	sbarrier.arrive $0xFFFF  }
0x209: {  	p0 =	sne.s32 s0, $0x0;
	s0 =	rddreg [dreg:$0x4]  }
0x20a: {  	s0 =	sadd.s32 @!p0 $0x100000, s0  }
0x20b: {  	[sflag:s0] =	ssyncadd.tile.s32 @!p0 $0x1;
	_ =	shalt  }
.Lfunc_end2:
_tile_overlayer_lowered:
.L_overlay_start_2:
0x20c: {  	(tag) =	ssettag $0x2  }
0x20d: {  	s0 =	rddreg [dreg:$0x0];
	s2 =	stileid.u32  }
0x20e: {  	s1 =	rddreg [dreg:$0x1];
	p0 =	sne.s32 s2, $0x0  }
0x20f: {  	s3 =	rddreg [dreg:$0x2];
	[bflag:$0x3] =	sbarrier.arrive $0xFFFF;
	s2 =	simm.s32 @!p0 $0x1C02  }
0x210: {  	[timem:s3], [sflag:s2] =	dma.local @!p0 [hbm:s0], s1  }
0x211: {  	s0 =	simm.s32 @!p0 $0x2  }
0x212: {  	_ =	swait.ge @!p0 [sflag:s0], s1  }
0x213: {  	s1 =	ssub.s32 @!p0 $0x0, s1;
	[sflag:s0] =	ssyncset.done @!p0 $0x0  }
0x214: {  	[sflag:s0] =	ssyncadd.s32 @!p0 s1  }
0x215: {  	[bflag:$0x3] =	sbarrier.arrive $0xFFFF  }
0x216: {  	_ =	shalt  }

</sc_bundles>
